<compile_context>
chip_gen: v7x
topology: tpu7x:2x2x1
jax: 0.10.2.dev20260603
libtpu: 0.0.44.dev20260713+nightly
codegen_flags: <defaults>
</compile_context>

<pallas_src>
import functools

import jax
import jax.numpy as jnp
from jax import lax
from jax.experimental import pallas as pl
from jax.experimental.pallas import tpu as pltpu
from jax.experimental.pallas import tpu_sc as plsc

_B = 16384
_E = 16
_L = 16
_NC = 2
_NT = 16
_RPT = _B // _NT
_OPW = _B // (_NC * _NT)
_CH = 128
_NCH = _RPT // _CH
_OCH = _OPW // _CH


def _fm_body(uidx_hbm, iidx_hbm, uemb_hbm, ubias_hbm, iemb_hbm, ibias_hbm,
             out_hbm,
             uidx_v, iidx_v, urows_v, irows_v, ub_v, ib_v,
             out_v, pacc_v, zidx_v, zero_v, bcast_v, shared_acc, sem):
    c = lax.axis_index("c")
    s = lax.axis_index("s")
    base = s * _RPT

    zidx_v[...] = jnp.zeros((_L,), jnp.int32)

    @pl.when(s == 0)
    def _zero_shared():
        zero_v[...] = jnp.zeros((_L,), jnp.float32)
        pltpu.sync_copy(zero_v, shared_acc)
    plsc.subcore_barrier()

    pltpu.sync_copy(uidx_hbm.at[pl.ds(s * _NCH, _NCH)], uidx_v)
    pltpu.sync_copy(iidx_hbm.at[pl.ds(s * _NCH, _NCH)], iidx_v)

    copies = []
    for k in range(_NCH):
        copies.append(pltpu.async_copy(
            uemb_hbm.at[uidx_v.at[k]], urows_v.at[pl.ds(k * _CH, _CH)], sem))
        copies.append(pltpu.async_copy(
            iemb_hbm.at[iidx_v.at[k]], irows_v.at[pl.ds(k * _CH, _CH)], sem))
    for k in range(_OCH):
        copies.append(pltpu.async_copy(
            ubias_hbm.at[uidx_v.at[c * _OCH + k]], ub_v.at[k], sem))
        copies.append(pltpu.async_copy(
            ibias_hbm.at[iidx_v.at[c * _OCH + k]], ib_v.at[k], sem))
    for cp in copies:
        cp.wait()

    def dot_step(r, acc):
        return acc + urows_v[r] * irows_v[r]
    acc = lax.fori_loop(0, _RPT, dot_step, jnp.zeros((_L,), jnp.float32),
                        unroll=8)
    pacc_v[...] = acc

    pltpu.sync_copy(pacc_v, shared_acc.at[zidx_v], add=True)
    plsc.subcore_barrier()
    pltpu.async_copy(shared_acc.at[zidx_v], bcast_v, sem).wait()
    s_vec = bcast_v[...]

    for k in range(_OCH):
        for j in range(_CH // _L):
            ub16 = ub_v[k, pl.ds(j * _L, _L)]
            ib16 = ib_v[k, pl.ds(j * _L, _L)]
            out_v[pl.ds((k * _CH + j * _L), _L)] = ub16 + ib16 + s_vec
    pltpu.sync_copy(out_v, out_hbm.at[pl.ds(base + c * _OPW, _OPW)])


@jax.jit
def _fm_call(uidx, iidx, uemb, ubias, iemb, ibias):
    mesh = plsc.VectorSubcoreMesh(core_axis_name="c", subcore_axis_name="s")
    kern = functools.partial(
        pl.kernel,
        out_type=jax.ShapeDtypeStruct((_B,), jnp.float32),
        mesh=mesh,
        compiler_params=pltpu.CompilerParams(use_tc_tiling_on_sc=False),
        scratch_types=[
            pltpu.VMEM((_NCH, _CH), jnp.int32),
            pltpu.VMEM((_NCH, _CH), jnp.int32),
            pltpu.VMEM((_RPT, _E), jnp.float32),
            pltpu.VMEM((_RPT, _E), jnp.float32),
            pltpu.VMEM((_OCH, _CH), jnp.float32),
            pltpu.VMEM((_OCH, _CH), jnp.float32),
            pltpu.VMEM((_OPW,), jnp.float32),
            pltpu.VMEM((_L,), jnp.float32),
            pltpu.VMEM((_L,), jnp.int32),
            pltpu.VMEM((_L,), jnp.float32),
            pltpu.VMEM((_L,), jnp.float32),
            pltpu.VMEM_SHARED((_L,), jnp.float32),
            pltpu.SemaphoreType.DMA,
        ],
    )(_fm_body)
    return kern(uidx, iidx, uemb, ubias, iemb, ibias)


def kernel(inputs, user_emb, user_bias, item_emb, item_bias):
    u_idx = inputs[:, 0].reshape(_B // _CH, _CH)
    i_idx = inputs[:, 1].reshape(_B // _CH, _CH)
    ubias = user_bias.reshape(-1)
    ibias = item_bias.reshape(-1)
    out = _fm_call(u_idx, i_idx, user_emb, ubias, item_emb, ibias)
    return out.reshape(_B, 1)

# --- scband reference (transcript-rebuilt; emitter-appended) ---
"""Pipeline reference for scband-factorization-recommender-9354438770981 (READ-ONLY COPY).

The authoritative reference and input builder live on the scoring server;
editing this copy changes nothing except your own understanding.
"""

import jax, jax.numpy as jnp
import numpy as np

NUM_USERS = 1000000
NUM_ITEMS = 1000000
EMBED_DIM = 16
BATCH = 16384


def setup_inputs(seed: int = 0) -> dict:
    key = jax.random.key(seed)
    k0, k1, k2, k3, k4 = jax.random.split(key, 5)
    inputs = jax.random.randint(k0, (BATCH, 2), 0, NUM_USERS, dtype=jnp.int32)
    he_std = float(np.sqrt(2.0 / EMBED_DIM))
    user_emb = jax.random.normal(k1, (NUM_USERS, EMBED_DIM), dtype=jnp.float32) * he_std
    item_emb = jax.random.normal(k2, (NUM_ITEMS, EMBED_DIM), dtype=jnp.float32) * he_std
    # Keras Embedding default initializer is uniform(-0.05, 0.05)
    user_bias = jax.random.uniform(k3, (NUM_USERS, 1), dtype=jnp.float32, minval=-0.05, maxval=0.05)
    item_bias = jax.random.uniform(k4, (NUM_ITEMS, 1), dtype=jnp.float32, minval=-0.05, maxval=0.05)
    return {"inputs": inputs, "user_emb": user_emb, "user_bias": user_bias,
            "item_emb": item_emb, "item_bias": item_bias}


def reference(inputs, user_emb, user_bias, item_emb, item_bias):
    u_idx = inputs[:, 0]
    i_idx = inputs[:, 1]
    user_vector = jnp.take(user_emb, u_idx, axis=0)      # [B, E]
    user_b = jnp.take(user_bias, u_idx, axis=0)          # [B, 1]
    item_vector = jnp.take(item_emb, i_idx, axis=0)      # [B, E]
    item_b = jnp.take(item_bias, i_idx, axis=0)          # [B, 1]
    # tf.tensordot(a, b, axes=2) contracts both axes -> scalar (faithful to original)
    dot_user_item = jnp.tensordot(user_vector, item_vector, axes=2)
    x = dot_user_item + user_b + item_b                   # broadcast scalar -> [B, 1]
    return x

if __name__ == "__main__":
    import jax
    _d = setup_inputs()
    print(jax.jit(kernel)(*tuple(_d.values())))

</pallas_src>

<mosaic_0001>
#map = affine_map<(d0, d1) -> (0, 0)>
#map1 = affine_map<(d0, d1) -> (0)>
module attributes {stable_mosaic.version = 14 : i64} {
  func.func @_fm_body(%arg0: i32, %arg1: i32, %arg2: memref<128x128xi32, #tpu.memory_space<hbm>>, %arg3: memref<128x128xi32, #tpu.memory_space<hbm>>, %arg4: memref<1000000x16xf32, #tpu.memory_space<hbm>>, %arg5: memref<1000000xf32, #tpu.memory_space<hbm>>, %arg6: memref<1000000x16xf32, #tpu.memory_space<hbm>>, %arg7: memref<1000000xf32, #tpu.memory_space<hbm>>, %arg8: memref<16384xf32, #tpu.memory_space<hbm>>, %arg9: memref<8x128xi32, #tpu.memory_space<vmem>>, %arg10: memref<8x128xi32, #tpu.memory_space<vmem>>, %arg11: memref<1024x16xf32, #tpu.memory_space<vmem>>, %arg12: memref<1024x16xf32, #tpu.memory_space<vmem>>, %arg13: memref<4x128xf32, #tpu.memory_space<vmem>>, %arg14: memref<4x128xf32, #tpu.memory_space<vmem>>, %arg15: memref<512xf32, #tpu.memory_space<vmem>>, %arg16: memref<16xf32, #tpu.memory_space<vmem>>, %arg17: memref<16xi32, #tpu.memory_space<vmem>>, %arg18: memref<16xf32, #tpu.memory_space<vmem>>, %arg19: memref<16xf32, #tpu.memory_space<vmem>>, %arg20: memref<16xf32, #tpu.memory_space<vmem_shared>>, %arg21: memref<!tpu.dma_semaphore, #tpu.memory_space<semaphore_mem>>) attributes {dimension_semantics = [#tpu.dimension_semantics<core_parallel>, #tpu.dimension_semantics<subcore_parallel>], iteration_bounds = array<i64: 2, 16>, scalar_prefetch = 0 : i64, scratch_operands = 13 : i64, tpu.core_type = #tpu.core_type<sc_vector_subcore>, window_params = [{transform_indices = #map}, {transform_indices = #map}, {transform_indices = #map}, {transform_indices = #map1}, {transform_indices = #map}, {transform_indices = #map1}, {transform_indices = #map1}]} {
    %mul3A = arith.constant 1024 : i32
    %mul3A_0 = arith.muli %arg1, %mul3A : i32
    %broadcast_in_dim3A = arith.constant 0 : i32
    %broadcast_in_dim3A_1 = vector.broadcast %broadcast_in_dim3A : i32 to vector<16xi32>
    %swap3A = arith.constant 0 : index
    %swap3A_2 = tpu.vector_load %arg17[%swap3A] {strides = array<i32>} : memref<16xi32, #tpu.memory_space<vmem>>, vector<16xi32>,
    %swap3A_3 = vector.shape_cast %swap3A_2 : vector<16xi32> to vector<16xi32>
    %swap3A_4 = vector.shape_cast %broadcast_in_dim3A_1 : vector<16xi32> to vector<16xi32>
    tpu.vector_store %arg17[%swap3A], %swap3A_4 {strides = array<i32>} : memref<16xi32, #tpu.memory_space<vmem>>, vector<16xi32>,
    %eq3A = arith.constant 0 : i32
    %eq3A_5 = arith.cmpi eq, %arg1, %eq3A : i32
    %convert_element_type3A = arith.extui %eq3A_5 : i1 to i32
    %cond3A = arith.constant 0 : i32
    %cond3A_6 = arith.cmpi ne, %convert_element_type3A, %cond3A : i32
    scf.if %cond3A_6 {
      %broadcast_in_dim3A_1037 = arith.constant 0.000000e+00 : f32
      %broadcast_in_dim3A_1038 = vector.broadcast %broadcast_in_dim3A_1037 : f32 to vector<16xf32>
      %swap3A_1039 = arith.constant 0 : index
      %swap3A_1040 = tpu.vector_load %arg18[%swap3A_1039] {strides = array<i32>} : memref<16xf32, #tpu.memory_space<vmem>>, vector<16xf32>,
      %swap3A_1041 = vector.shape_cast %swap3A_1040 : vector<16xf32> to vector<16xf32>
      %swap3A_1042 = vector.shape_cast %broadcast_in_dim3A_1038 : vector<16xf32> to vector<16xf32>
      tpu.vector_store %arg18[%swap3A_1039], %swap3A_1042 {strides = array<i32>} : memref<16xf32, #tpu.memory_space<vmem>>, vector<16xf32>,
      "tpu.region"() ({
        %run_scoped3A = tpu.sem_alloc : memref<!tpu.dma_semaphore, #tpu.memory_space<semaphore_mem>>
        tpu.enqueue_dma source(%arg18 : memref<16xf32, #tpu.memory_space<vmem>>) target(%arg20 : memref<16xf32, #tpu.memory_space<vmem_shared>>) target_semaphore(%run_scoped3A : memref<!tpu.dma_semaphore, #tpu.memory_space<semaphore_mem>>)
        tpu.wait_dma2 semaphore(%run_scoped3A : memref<!tpu.dma_semaphore, #tpu.memory_space<semaphore_mem>>) src(%arg18 : memref<16xf32, #tpu.memory_space<vmem>>) dst(%arg20 : memref<16xf32, #tpu.memory_space<vmem_shared>>)
        tpu.yield
      }) : () -> ()
    } else {
    }
    %barrier3A = arith.constant 0 : index
    tpu.barrier barrier_id(%barrier3A)
    %mul3A_7 = arith.constant 8 : i32
    %mul3A_8 = arith.muli %arg1, %mul3A_7 : i32
    "tpu.region"() ({
      %run_scoped3A = tpu.sem_alloc : memref<!tpu.dma_semaphore, #tpu.memory_space<semaphore_mem>>
      %dma_start3A_1037 = arith.constant 0 : i32
      %dma_start3A_1038 = tpu.memref_slice %arg2[%mul3A_8, %dma_start3A_1037] : memref<128x128xi32, #tpu.memory_space<hbm>> -> memref<8x128xi32, #tpu.memory_space<hbm>>
      %dma_start3A_1039 = arith.constant 0 : i32
      %dma_start3A_1040 = tpu.memref_slice %arg2[%mul3A_8, %dma_start3A_1039] : memref<128x128xi32, #tpu.memory_space<hbm>> -> memref<8x128xi32, #tpu.memory_space<hbm>>
      tpu.enqueue_dma source(%dma_start3A_1040 : memref<8x128xi32, #tpu.memory_space<hbm>>) target(%arg9 : memref<8x128xi32, #tpu.memory_space<vmem>>) target_semaphore(%run_scoped3A : memref<!tpu.dma_semaphore, #tpu.memory_space<semaphore_mem>>)
      %dma_wait3A_1041 = arith.constant 0 : i32
      %dma_wait3A_1042 = tpu.memref_slice %arg2[%mul3A_8, %dma_wait3A_1041] : memref<128x128xi32, #tpu.memory_space<hbm>> -> memref<8x128xi32, #tpu.memory_space<hbm>>
      %dma_wait3A_1043 = arith.constant 0 : i32
      %dma_wait3A_1044 = tpu.memref_slice %arg2[%mul3A_8, %dma_wait3A_1043] : memref<128x128xi32, #tpu.memory_space<hbm>> -> memref<8x128xi32, #tpu.memory_space<hbm>>
      tpu.wait_dma2 semaphore(%run_scoped3A : memref<!tpu.dma_semaphore, #tpu.memory_space<semaphore_mem>>) src(%dma_wait3A_1044 : memref<8x128xi32, #tpu.memory_space<hbm>>) dst(%arg9 : memref<8x128xi32, #tpu.memory_space<vmem>>)
      tpu.yield
    }) : () -> ()
    %mul3A_9 = arith.constant 8 : i32
    %mul3A_10 = arith.muli %arg1, %mul3A_9 : i32
    "tpu.region"() ({
      %run_scoped3A = tpu.sem_alloc : memref<!tpu.dma_semaphore, #tpu.memory_space<semaphore_mem>>
      %dma_start3A_1037 = arith.constant 0 : i32
      %dma_start3A_1038 = tpu.memref_slice %arg3[%mul3A_10, %dma_start3A_1037] : memref<128x128xi32, #tpu.memory_space<hbm>> -> memref<8x128xi32, #tpu.memory_space<hbm>>
      %dma_start3A_1039 = arith.constant 0 : i32
      %dma_start3A_1040 = tpu.memref_slice %arg3[%mul3A_10, %dma_start3A_1039] : memref<128x128xi32, #tpu.memory_space<hbm>> -> memref<8x128xi32, #tpu.memory_space<hbm>>
      tpu.enqueue_dma source(%dma_start3A_1040 : memref<8x128xi32, #tpu.memory_space<hbm>>) target(%arg10 : memref<8x128xi32, #tpu.memory_space<vmem>>) target_semaphore(%run_scoped3A : memref<!tpu.dma_semaphore, #tpu.memory_space<semaphore_mem>>)
      %dma_wait3A_1041 = arith.constant 0 : i32
      %dma_wait3A_1042 = tpu.memref_slice %arg3[%mul3A_10, %dma_wait3A_1041] : memref<128x128xi32, #tpu.memory_space<hbm>> -> memref<8x128xi32, #tpu.memory_space<hbm>>
      %dma_wait3A_1043 = arith.constant 0 : i32
      %dma_wait3A_1044 = tpu.memref_slice %arg3[%mul3A_10, %dma_wait3A_1043] : memref<128x128xi32, #tpu.memory_space<hbm>> -> memref<8x128xi32, #tpu.memory_space<hbm>>
      tpu.wait_dma2 semaphore(%run_scoped3A : memref<!tpu.dma_semaphore, #tpu.memory_space<semaphore_mem>>) src(%dma_wait3A_1044 : memref<8x128xi32, #tpu.memory_space<hbm>>) dst(%arg10 : memref<8x128xi32, #tpu.memory_space<vmem>>)
      tpu.yield
    }) : () -> ()
    %dma_start3A = arith.constant 0 : i32
    %dma_start3A_11 = arith.constant 0 : i32
    %dma_start3A_12 = arith.constant 0 : i32
    %dma_start3A_13 = tpu.memref_slice %arg11[%dma_start3A_11, %dma_start3A_12] : memref<1024x16xf32, #tpu.memory_space<vmem>> -> memref<128x16xf32, #tpu.memory_space<vmem>>
    %dma_start3A_14 = arith.constant 0 : i32
    %dma_start3A_15 = tpu.memref_slice %arg9[%dma_start3A, %dma_start3A_14] : memref<8x128xi32, #tpu.memory_space<vmem>> -> memref<1x128xi32, #tpu.memory_space<vmem>>
    %dma_start3A_16 = tpu.memref_squeeze %dma_start3A_15 : memref<1x128xi32, #tpu.memory_space<vmem>> -> memref<128xi32, #tpu.memory_space<vmem>>
    %dma_start3A_17 = arith.constant 0 : i32
    %dma_start3A_18 = arith.constant 0 : i32
    %dma_start3A_19 = tpu.memref_slice %arg4[%dma_start3A_17, %dma_start3A_18] : memref<1000000x16xf32, #tpu.memory_space<hbm>> -> memref<1000000x16xf32, #tpu.memory_space<hbm>>
    tpu.enqueue_indirect_dma source(%dma_start3A_19 : memref<1000000x16xf32, #tpu.memory_space<hbm>>) target(%dma_start3A_13 : memref<128x16xf32, #tpu.memory_space<vmem>>) offsets(%dma_start3A_16 : memref<128xi32, #tpu.memory_space<vmem>>) semaphore(%arg21 : memref<!tpu.dma_semaphore, #tpu.memory_space<semaphore_mem>>)
    %dma_start3A_20 = arith.constant 0 : i32
    %dma_start3A_21 = arith.constant 0 : i32
    %dma_start3A_22 = arith.constant 0 : i32
    %dma_start3A_23 = tpu.memref_slice %arg12[%dma_start3A_21, %dma_start3A_22] : memref<1024x16xf32, #tpu.memory_space<vmem>> -> memref<128x16xf32, #tpu.memory_space<vmem>>
    %dma_start3A_24 = arith.constant 0 : i32
    %dma_start3A_25 = tpu.memref_slice %arg10[%dma_start3A_20, %dma_start3A_24] : memref<8x128xi32, #tpu.memory_space<vmem>> -> memref<1x128xi32, #tpu.memory_space<vmem>>
    %dma_start3A_26 = tpu.memref_squeeze %dma_start3A_25 : memref<1x128xi32, #tpu.memory_space<vmem>> -> memref<128xi32, #tpu.memory_space<vmem>>
    %dma_start3A_27 = arith.constant 0 : i32
    %dma_start3A_28 = arith.constant 0 : i32
    %dma_start3A_29 = tpu.memref_slice %arg6[%dma_start3A_27, %dma_start3A_28] : memref<1000000x16xf32, #tpu.memory_space<hbm>> -> memref<1000000x16xf32, #tpu.memory_space<hbm>>
    tpu.enqueue_indirect_dma source(%dma_start3A_29 : memref<1000000x16xf32, #tpu.memory_space<hbm>>) target(%dma_start3A_23 : memref<128x16xf32, #tpu.memory_space<vmem>>) offsets(%dma_start3A_26 : memref<128xi32, #tpu.memory_space<vmem>>) semaphore(%arg21 : memref<!tpu.dma_semaphore, #tpu.memory_space<semaphore_mem>>)
    %dma_start3A_30 = arith.constant 1 : i32
    %dma_start3A_31 = arith.constant 128 : i32
    %dma_start3A_32 = arith.constant 0 : i32
    %dma_start3A_33 = tpu.memref_slice %arg11[%dma_start3A_31, %dma_start3A_32] : memref<1024x16xf32, #tpu.memory_space<vmem>> -> memref<128x16xf32, #tpu.memory_space<vmem>>
    %dma_start3A_34 = arith.constant 0 : i32
    %dma_start3A_35 = tpu.memref_slice %arg9[%dma_start3A_30, %dma_start3A_34] : memref<8x128xi32, #tpu.memory_space<vmem>> -> memref<1x128xi32, #tpu.memory_space<vmem>>
    %dma_start3A_36 = tpu.memref_squeeze %dma_start3A_35 : memref<1x128xi32, #tpu.memory_space<vmem>> -> memref<128xi32, #tpu.memory_space<vmem>>
    %dma_start3A_37 = arith.constant 0 : i32
    %dma_start3A_38 = arith.constant 0 : i32
    %dma_start3A_39 = tpu.memref_slice %arg4[%dma_start3A_37, %dma_start3A_38] : memref<1000000x16xf32, #tpu.memory_space<hbm>> -> memref<1000000x16xf32, #tpu.memory_space<hbm>>
    tpu.enqueue_indirect_dma source(%dma_start3A_39 : memref<1000000x16xf32, #tpu.memory_space<hbm>>) target(%dma_start3A_33 : memref<128x16xf32, #tpu.memory_space<vmem>>) offsets(%dma_start3A_36 : memref<128xi32, #tpu.memory_space<vmem>>) semaphore(%arg21 : memref<!tpu.dma_semaphore, #tpu.memory_space<semaphore_mem>>)
    %dma_start3A_40 = arith.constant 1 : i32
    %dma_start3A_41 = arith.constant 128 : i32
    %dma_start3A_42 = arith.constant 0 : i32
    %dma_start3A_43 = tpu.memref_slice %arg12[%dma_start3A_41, %dma_start3A_42] : memref<1024x16xf32, #tpu.memory_space<vmem>> -> memref<128x16xf32, #tpu.memory_space<vmem>>
    %dma_start3A_44 = arith.constant 0 : i32
    %dma_start3A_45 = tpu.memref_slice %arg10[%dma_start3A_40, %dma_start3A_44] : memref<8x128xi32, #tpu.memory_space<vmem>> -> memref<1x128xi32, #tpu.memory_space<vmem>>
    %dma_start3A_46 = tpu.memref_squeeze %dma_start3A_45 : memref<1x128xi32, #tpu.memory_space<vmem>> -> memref<128xi32, #tpu.memory_space<vmem>>
    %dma_start3A_47 = arith.constant 0 : i32
    %dma_start3A_48 = arith.constant 0 : i32
    %dma_start3A_49 = tpu.memref_slice %arg6[%dma_start3A_47, %dma_start3A_48] : memref<1000000x16xf32, #tpu.memory_space<hbm>> -> memref<1000000x16xf32, #tpu.memory_space<hbm>>
    tpu.enqueue_indirect_dma source(%dma_start3A_49 : memref<1000000x16xf32, #tpu.memory_space<hbm>>) target(%dma_start3A_43 : memref<128x16xf32, #tpu.memory_space<vmem>>) offsets(%dma_start3A_46 : memref<128xi32, #tpu.memory_space<vmem>>) semaphore(%arg21 : memref<!tpu.dma_semaphore, #tpu.memory_space<semaphore_mem>>)
    %dma_start3A_50 = arith.constant 2 : i32
    %dma_start3A_51 = arith.constant 256 : i32
    %dma_start3A_52 = arith.constant 0 : i32
    %dma_start3A_53 = tpu.memref_slice %arg11[%dma_start3A_51, %dma_start3A_52] : memref<1024x16xf32, #tpu.memory_space<vmem>> -> memref<128x16xf32, #tpu.memory_space<vmem>>
    %dma_start3A_54 = arith.constant 0 : i32
    %dma_start3A_55 = tpu.memref_slice %arg9[%dma_start3A_50, %dma_start3A_54] : memref<8x128xi32, #tpu.memory_space<vmem>> -> memref<1x128xi32, #tpu.memory_space<vmem>>
    %dma_start3A_56 = tpu.memref_squeeze %dma_start3A_55 : memref<1x128xi32, #tpu.memory_space<vmem>> -> memref<128xi32, #tpu.memory_space<vmem>>
    %dma_start3A_57 = arith.constant 0 : i32
    %dma_start3A_58 = arith.constant 0 : i32
    %dma_start3A_59 = tpu.memref_slice %arg4[%dma_start3A_57, %dma_start3A_58] : memref<1000000x16xf32, #tpu.memory_space<hbm>> -> memref<1000000x16xf32, #tpu.memory_space<hbm>>
    tpu.enqueue_indirect_dma source(%dma_start3A_59 : memref<1000000x16xf32, #tpu.memory_space<hbm>>) target(%dma_start3A_53 : memref<128x16xf32, #tpu.memory_space<vmem>>) offsets(%dma_start3A_56 : memref<128xi32, #tpu.memory_space<vmem>>) semaphore(%arg21 : memref<!tpu.dma_semaphore, #tpu.memory_space<semaphore_mem>>)
    %dma_start3A_60 = arith.constant 2 : i32
    %dma_start3A_61 = arith.constant 256 : i32
    %dma_start3A_62 = arith.constant 0 : i32
    %dma_start3A_63 = tpu.memref_slice %arg12[%dma_start3A_61, %dma_start3A_62] : memref<1024x16xf32, #tpu.memory_space<vmem>> -> memref<128x16xf32, #tpu.memory_space<vmem>>
    %dma_start3A_64 = arith.constant 0 : i32
    %dma_start3A_65 = tpu.memref_slice %arg10[%dma_start3A_60, %dma_start3A_64] : memref<8x128xi32, #tpu.memory_space<vmem>> -> memref<1x128xi32, #tpu.memory_space<vmem>>
    %dma_start3A_66 = tpu.memref_squeeze %dma_start3A_65 : memref<1x128xi32, #tpu.memory_space<vmem>> -> memref<128xi32, #tpu.memory_space<vmem>>
    %dma_start3A_67 = arith.constant 0 : i32
    %dma_start3A_68 = arith.constant 0 : i32
    %dma_start3A_69 = tpu.memref_slice %arg6[%dma_start3A_67, %dma_start3A_68] : memref<1000000x16xf32, #tpu.memory_space<hbm>> -> memref<1000000x16xf32, #tpu.memory_space<hbm>>
    tpu.enqueue_indirect_dma source(%dma_start3A_69 : memref<1000000x16xf32, #tpu.memory_space<hbm>>) target(%dma_start3A_63 : memref<128x16xf32, #tpu.memory_space<vmem>>) offsets(%dma_start3A_66 : memref<128xi32, #tpu.memory_space<vmem>>) semaphore(%arg21 : memref<!tpu.dma_semaphore, #tpu.memory_space<semaphore_mem>>)
    %dma_start3A_70 = arith.constant 3 : i32
    %dma_start3A_71 = arith.constant 384 : i32
    %dma_start3A_72 = arith.constant 0 : i32
    %dma_start3A_73 = tpu.memref_slice %arg11[%dma_start3A_71, %dma_start3A_72] : memref<1024x16xf32, #tpu.memory_space<vmem>> -> memref<128x16xf32, #tpu.memory_space<vmem>>
    %dma_start3A_74 = arith.constant 0 : i32
    %dma_start3A_75 = tpu.memref_slice %arg9[%dma_start3A_70, %dma_start3A_74] : memref<8x128xi32, #tpu.memory_space<vmem>> -> memref<1x128xi32, #tpu.memory_space<vmem>>
    %dma_start3A_76 = tpu.memref_squeeze %dma_start3A_75 : memref<1x128xi32, #tpu.memory_space<vmem>> -> memref<128xi32, #tpu.memory_space<vmem>>
    %dma_start3A_77 = arith.constant 0 : i32
    %dma_start3A_78 = arith.constant 0 : i32
    %dma_start3A_79 = tpu.memref_slice %arg4[%dma_start3A_77, %dma_start3A_78] : memref<1000000x16xf32, #tpu.memory_space<hbm>> -> memref<1000000x16xf32, #tpu.memory_space<hbm>>
    tpu.enqueue_indirect_dma source(%dma_start3A_79 : memref<1000000x16xf32, #tpu.memory_space<hbm>>) target(%dma_start3A_73 : memref<128x16xf32, #tpu.memory_space<vmem>>) offsets(%dma_start3A_76 : memref<128xi32, #tpu.memory_space<vmem>>) semaphore(%arg21 : memref<!tpu.dma_semaphore, #tpu.memory_space<semaphore_mem>>)
    %dma_start3A_80 = arith.constant 3 : i32
    %dma_start3A_81 = arith.constant 384 : i32
    %dma_start3A_82 = arith.constant 0 : i32
    %dma_start3A_83 = tpu.memref_slice %arg12[%dma_start3A_81, %dma_start3A_82] : memref<1024x16xf32, #tpu.memory_space<vmem>> -> memref<128x16xf32, #tpu.memory_space<vmem>>
    %dma_start3A_84 = arith.constant 0 : i32
    %dma_start3A_85 = tpu.memref_slice %arg10[%dma_start3A_80, %dma_start3A_84] : memref<8x128xi32, #tpu.memory_space<vmem>> -> memref<1x128xi32, #tpu.memory_space<vmem>>
    %dma_start3A_86 = tpu.memref_squeeze %dma_start3A_85 : memref<1x128xi32, #tpu.memory_space<vmem>> -> memref<128xi32, #tpu.memory_space<vmem>>
    %dma_start3A_87 = arith.constant 0 : i32
    %dma_start3A_88 = arith.constant 0 : i32
    %dma_start3A_89 = tpu.memref_slice %arg6[%dma_start3A_87, %dma_start3A_88] : memref<1000000x16xf32, #tpu.memory_space<hbm>> -> memref<1000000x16xf32, #tpu.memory_space<hbm>>
    tpu.enqueue_indirect_dma source(%dma_start3A_89 : memref<1000000x16xf32, #tpu.memory_space<hbm>>) target(%dma_start3A_83 : memref<128x16xf32, #tpu.memory_space<vmem>>) offsets(%dma_start3A_86 : memref<128xi32, #tpu.memory_space<vmem>>) semaphore(%arg21 : memref<!tpu.dma_semaphore, #tpu.memory_space<semaphore_mem>>)
    %dma_start3A_90 = arith.constant 4 : i32
    %dma_start3A_91 = arith.constant 512 : i32
    %dma_start3A_92 = arith.constant 0 : i32
    %dma_start3A_93 = tpu.memref_slice %arg11[%dma_start3A_91, %dma_start3A_92] : memref<1024x16xf32, #tpu.memory_space<vmem>> -> memref<128x16xf32, #tpu.memory_space<vmem>>
    %dma_start3A_94 = arith.constant 0 : i32
    %dma_start3A_95 = tpu.memref_slice %arg9[%dma_start3A_90, %dma_start3A_94] : memref<8x128xi32, #tpu.memory_space<vmem>> -> memref<1x128xi32, #tpu.memory_space<vmem>>
    %dma_start3A_96 = tpu.memref_squeeze %dma_start3A_95 : memref<1x128xi32, #tpu.memory_space<vmem>> -> memref<128xi32, #tpu.memory_space<vmem>>
    %dma_start3A_97 = arith.constant 0 : i32
    %dma_start3A_98 = arith.constant 0 : i32
    %dma_start3A_99 = tpu.memref_slice %arg4[%dma_start3A_97, %dma_start3A_98] : memref<1000000x16xf32, #tpu.memory_space<hbm>> -> memref<1000000x16xf32, #tpu.memory_space<hbm>>
    tpu.enqueue_indirect_dma source(%dma_start3A_99 : memref<1000000x16xf32, #tpu.memory_space<hbm>>) target(%dma_start3A_93 : memref<128x16xf32, #tpu.memory_space<vmem>>) offsets(%dma_start3A_96 : memref<128xi32, #tpu.memory_space<vmem>>) semaphore(%arg21 : memref<!tpu.dma_semaphore, #tpu.memory_space<semaphore_mem>>)
    %dma_start3A_100 = arith.constant 4 : i32
    %dma_start3A_101 = arith.constant 512 : i32
    %dma_start3A_102 = arith.constant 0 : i32
    %dma_start3A_103 = tpu.memref_slice %arg12[%dma_start3A_101, %dma_start3A_102] : memref<1024x16xf32, #tpu.memory_space<vmem>> -> memref<128x16xf32, #tpu.memory_space<vmem>>
    %dma_start3A_104 = arith.constant 0 : i32
    %dma_start3A_105 = tpu.memref_slice %arg10[%dma_start3A_100, %dma_start3A_104] : memref<8x128xi32, #tpu.memory_space<vmem>> -> memref<1x128xi32, #tpu.memory_space<vmem>>
    %dma_start3A_106 = tpu.memref_squeeze %dma_start3A_105 : memref<1x128xi32, #tpu.memory_space<vmem>> -> memref<128xi32, #tpu.memory_space<vmem>>
    %dma_start3A_107 = arith.constant 0 : i32
    %dma_start3A_108 = arith.constant 0 : i32
    %dma_start3A_109 = tpu.memref_slice %arg6[%dma_start3A_107, %dma_start3A_108] : memref<1000000x16xf32, #tpu.memory_space<hbm>> -> memref<1000000x16xf32, #tpu.memory_space<hbm>>
    tpu.enqueue_indirect_dma source(%dma_start3A_109 : memref<1000000x16xf32, #tpu.memory_space<hbm>>) target(%dma_start3A_103 : memref<128x16xf32, #tpu.memory_space<vmem>>) offsets(%dma_start3A_106 : memref<128xi32, #tpu.memory_space<vmem>>) semaphore(%arg21 : memref<!tpu.dma_semaphore, #tpu.memory_space<semaphore_mem>>)
    %dma_start3A_110 = arith.constant 5 : i32
    %dma_start3A_111 = arith.constant 640 : i32
    %dma_start3A_112 = arith.constant 0 : i32
    %dma_start3A_113 = tpu.memref_slice %arg11[%dma_start3A_111, %dma_start3A_112] : memref<1024x16xf32, #tpu.memory_space<vmem>> -> memref<128x16xf32, #tpu.memory_space<vmem>>
    %dma_start3A_114 = arith.constant 0 : i32
    %dma_start3A_115 = tpu.memref_slice %arg9[%dma_start3A_110, %dma_start3A_114] : memref<8x128xi32, #tpu.memory_space<vmem>> -> memref<1x128xi32, #tpu.memory_space<vmem>>
    %dma_start3A_116 = tpu.memref_squeeze %dma_start3A_115 : memref<1x128xi32, #tpu.memory_space<vmem>> -> memref<128xi32, #tpu.memory_space<vmem>>
    %dma_start3A_117 = arith.constant 0 : i32
    %dma_start3A_118 = arith.constant 0 : i32
    %dma_start3A_119 = tpu.memref_slice %arg4[%dma_start3A_117, %dma_start3A_118] : memref<1000000x16xf32, #tpu.memory_space<hbm>> -> memref<1000000x16xf32, #tpu.memory_space<hbm>>
    tpu.enqueue_indirect_dma source(%dma_start3A_119 : memref<1000000x16xf32, #tpu.memory_space<hbm>>) target(%dma_start3A_113 : memref<128x16xf32, #tpu.memory_space<vmem>>) offsets(%dma_start3A_116 : memref<128xi32, #tpu.memory_space<vmem>>) semaphore(%arg21 : memref<!tpu.dma_semaphore, #tpu.memory_space<semaphore_mem>>)
    %dma_start3A_120 = arith.constant 5 : i32
    %dma_start3A_121 = arith.constant 640 : i32
    %dma_start3A_122 = arith.constant 0 : i32
    %dma_start3A_123 = tpu.memref_slice %arg12[%dma_start3A_121, %dma_start3A_122] : memref<1024x16xf32, #tpu.memory_space<vmem>> -> memref<128x16xf32, #tpu.memory_space<vmem>>
    %dma_start3A_124 = arith.constant 0 : i32
    %dma_start3A_125 = tpu.memref_slice %arg10[%dma_start3A_120, %dma_start3A_124] : memref<8x128xi32, #tpu.memory_space<vmem>> -> memref<1x128xi32, #tpu.memory_space<vmem>>
    %dma_start3A_126 = tpu.memref_squeeze %dma_start3A_125 : memref<1x128xi32, #tpu.memory_space<vmem>> -> memref<128xi32, #tpu.memory_space<vmem>>
    %dma_start3A_127 = arith.constant 0 : i32
    %dma_start3A_128 = arith.constant 0 : i32
    %dma_start3A_129 = tpu.memref_slice %arg6[%dma_start3A_127, %dma_start3A_128] : memref<1000000x16xf32, #tpu.memory_space<hbm>> -> memref<1000000x16xf32, #tpu.memory_space<hbm>>
    tpu.enqueue_indirect_dma source(%dma_start3A_129 : memref<1000000x16xf32, #tpu.memory_space<hbm>>) target(%dma_start3A_123 : memref<128x16xf32, #tpu.memory_space<vmem>>) offsets(%dma_start3A_126 : memref<128xi32, #tpu.memory_space<vmem>>) semaphore(%arg21 : memref<!tpu.dma_semaphore, #tpu.memory_space<semaphore_mem>>)
    %dma_start3A_130 = arith.constant 6 : i32
    %dma_start3A_131 = arith.constant 768 : i32
    %dma_start3A_132 = arith.constant 0 : i32
    %dma_start3A_133 = tpu.memref_slice %arg11[%dma_start3A_131, %dma_start3A_132] : memref<1024x16xf32, #tpu.memory_space<vmem>> -> memref<128x16xf32, #tpu.memory_space<vmem>>
    %dma_start3A_134 = arith.constant 0 : i32
    %dma_start3A_135 = tpu.memref_slice %arg9[%dma_start3A_130, %dma_start3A_134] : memref<8x128xi32, #tpu.memory_space<vmem>> -> memref<1x128xi32, #tpu.memory_space<vmem>>
    %dma_start3A_136 = tpu.memref_squeeze %dma_start3A_135 : memref<1x128xi32, #tpu.memory_space<vmem>> -> memref<128xi32, #tpu.memory_space<vmem>>
    %dma_start3A_137 = arith.constant 0 : i32
    %dma_start3A_138 = arith.constant 0 : i32
    %dma_start3A_139 = tpu.memref_slice %arg4[%dma_start3A_137, %dma_start3A_138] : memref<1000000x16xf32, #tpu.memory_space<hbm>> -> memref<1000000x16xf32, #tpu.memory_space<hbm>>
    tpu.enqueue_indirect_dma source(%dma_start3A_139 : memref<1000000x16xf32, #tpu.memory_space<hbm>>) target(%dma_start3A_133 : memref<128x16xf32, #tpu.memory_space<vmem>>) offsets(%dma_start3A_136 : memref<128xi32, #tpu.memory_space<vmem>>) semaphore(%arg21 : memref<!tpu.dma_semaphore, #tpu.memory_space<semaphore_mem>>)
    %dma_start3A_140 = arith.constant 6 : i32
    %dma_start3A_141 = arith.constant 768 : i32
    %dma_start3A_142 = arith.constant 0 : i32
    %dma_start3A_143 = tpu.memref_slice %arg12[%dma_start3A_141, %dma_start3A_142] : memref<1024x16xf32, #tpu.memory_space<vmem>> -> memref<128x16xf32, #tpu.memory_space<vmem>>
    %dma_start3A_144 = arith.constant 0 : i32
    %dma_start3A_145 = tpu.memref_slice %arg10[%dma_start3A_140, %dma_start3A_144] : memref<8x128xi32, #tpu.memory_space<vmem>> -> memref<1x128xi32, #tpu.memory_space<vmem>>
    %dma_start3A_146 = tpu.memref_squeeze %dma_start3A_145 : memref<1x128xi32, #tpu.memory_space<vmem>> -> memref<128xi32, #tpu.memory_space<vmem>>
    %dma_start3A_147 = arith.constant 0 : i32
    %dma_start3A_148 = arith.constant 0 : i32
    %dma_start3A_149 = tpu.memref_slice %arg6[%dma_start3A_147, %dma_start3A_148] : memref<1000000x16xf32, #tpu.memory_space<hbm>> -> memref<1000000x16xf32, #tpu.memory_space<hbm>>
    tpu.enqueue_indirect_dma source(%dma_start3A_149 : memref<1000000x16xf32, #tpu.memory_space<hbm>>) target(%dma_start3A_143 : memref<128x16xf32, #tpu.memory_space<vmem>>) offsets(%dma_start3A_146 : memref<128xi32, #tpu.memory_space<vmem>>) semaphore(%arg21 : memref<!tpu.dma_semaphore, #tpu.memory_space<semaphore_mem>>)
    %dma_start3A_150 = arith.constant 7 : i32
    %dma_start3A_151 = arith.constant 896 : i32
    %dma_start3A_152 = arith.constant 0 : i32
    %dma_start3A_153 = tpu.memref_slice %arg11[%dma_start3A_151, %dma_start3A_152] : memref<1024x16xf32, #tpu.memory_space<vmem>> -> memref<128x16xf32, #tpu.memory_space<vmem>>
    %dma_start3A_154 = arith.constant 0 : i32
    %dma_start3A_155 = tpu.memref_slice %arg9[%dma_start3A_150, %dma_start3A_154] : memref<8x128xi32, #tpu.memory_space<vmem>> -> memref<1x128xi32, #tpu.memory_space<vmem>>
    %dma_start3A_156 = tpu.memref_squeeze %dma_start3A_155 : memref<1x128xi32, #tpu.memory_space<vmem>> -> memref<128xi32, #tpu.memory_space<vmem>>
    %dma_start3A_157 = arith.constant 0 : i32
    %dma_start3A_158 = arith.constant 0 : i32
    %dma_start3A_159 = tpu.memref_slice %arg4[%dma_start3A_157, %dma_start3A_158] : memref<1000000x16xf32, #tpu.memory_space<hbm>> -> memref<1000000x16xf32, #tpu.memory_space<hbm>>
    tpu.enqueue_indirect_dma source(%dma_start3A_159 : memref<1000000x16xf32, #tpu.memory_space<hbm>>) target(%dma_start3A_153 : memref<128x16xf32, #tpu.memory_space<vmem>>) offsets(%dma_start3A_156 : memref<128xi32, #tpu.memory_space<vmem>>) semaphore(%arg21 : memref<!tpu.dma_semaphore, #tpu.memory_space<semaphore_mem>>)
    %dma_start3A_160 = arith.constant 7 : i32
    %dma_start3A_161 = arith.constant 896 : i32
    %dma_start3A_162 = arith.constant 0 : i32
    %dma_start3A_163 = tpu.memref_slice %arg12[%dma_start3A_161, %dma_start3A_162] : memref<1024x16xf32, #tpu.memory_space<vmem>> -> memref<128x16xf32, #tpu.memory_space<vmem>>
    %dma_start3A_164 = arith.constant 0 : i32
    %dma_start3A_165 = tpu.memref_slice %arg10[%dma_start3A_160, %dma_start3A_164] : memref<8x128xi32, #tpu.memory_space<vmem>> -> memref<1x128xi32, #tpu.memory_space<vmem>>
    %dma_start3A_166 = tpu.memref_squeeze %dma_start3A_165 : memref<1x128xi32, #tpu.memory_space<vmem>> -> memref<128xi32, #tpu.memory_space<vmem>>
    %dma_start3A_167 = arith.constant 0 : i32
    %dma_start3A_168 = arith.constant 0 : i32
    %dma_start3A_169 = tpu.memref_slice %arg6[%dma_start3A_167, %dma_start3A_168] : memref<1000000x16xf32, #tpu.memory_space<hbm>> -> memref<1000000x16xf32, #tpu.memory_space<hbm>>
    tpu.enqueue_indirect_dma source(%dma_start3A_169 : memref<1000000x16xf32, #tpu.memory_space<hbm>>) target(%dma_start3A_163 : memref<128x16xf32, #tpu.memory_space<vmem>>) offsets(%dma_start3A_166 : memref<128xi32, #tpu.memory_space<vmem>>) semaphore(%arg21 : memref<!tpu.dma_semaphore, #tpu.memory_space<semaphore_mem>>)
    %mul3A_170 = arith.constant 4 : i32
    %mul3A_171 = arith.muli %arg0, %mul3A_170 : i32
    %add3A = arith.constant 0 : i32
    %add3A_172 = arith.addi %mul3A_171, %add3A : i32
    %dma_start3A_173 = arith.constant 0 : i32
    %dma_start3A_174 = arith.constant 0 : i32
    %dma_start3A_175 = tpu.memref_slice %arg13[%dma_start3A_173, %dma_start3A_174] : memref<4x128xf32, #tpu.memory_space<vmem>> -> memref<1x128xf32, #tpu.memory_space<vmem>>
    %dma_start3A_176 = tpu.memref_squeeze %dma_start3A_175 : memref<1x128xf32, #tpu.memory_space<vmem>> -> memref<128xf32, #tpu.memory_space<vmem>>
    %dma_start3A_177 = arith.constant 0 : i32
    %dma_start3A_178 = tpu.memref_slice %arg9[%add3A_172, %dma_start3A_177] : memref<8x128xi32, #tpu.memory_space<vmem>> -> memref<1x128xi32, #tpu.memory_space<vmem>>
    %dma_start3A_179 = tpu.memref_squeeze %dma_start3A_178 : memref<1x128xi32, #tpu.memory_space<vmem>> -> memref<128xi32, #tpu.memory_space<vmem>>
    %dma_start3A_180 = arith.constant 0 : i32
    %dma_start3A_181 = tpu.memref_slice %arg5[%dma_start3A_180] : memref<1000000xf32, #tpu.memory_space<hbm>> -> memref<1000000xf32, #tpu.memory_space<hbm>>
    tpu.enqueue_indirect_dma source(%dma_start3A_181 : memref<1000000xf32, #tpu.memory_space<hbm>>) target(%dma_start3A_176 : memref<128xf32, #tpu.memory_space<vmem>>) offsets(%dma_start3A_179 : memref<128xi32, #tpu.memory_space<vmem>>) semaphore(%arg21 : memref<!tpu.dma_semaphore, #tpu.memory_space<semaphore_mem>>)
    %mul3A_182 = arith.constant 4 : i32
    %mul3A_183 = arith.muli %arg0, %mul3A_182 : i32
    %add3A_184 = arith.constant 0 : i32
    %add3A_185 = arith.addi %mul3A_183, %add3A_184 : i32
    %dma_start3A_186 = arith.constant 0 : i32
    %dma_start3A_187 = arith.constant 0 : i32
    %dma_start3A_188 = tpu.memref_slice %arg14[%dma_start3A_186, %dma_start3A_187] : memref<4x128xf32, #tpu.memory_space<vmem>> -> memref<1x128xf32, #tpu.memory_space<vmem>>
    %dma_start3A_189 = tpu.memref_squeeze %dma_start3A_188 : memref<1x128xf32, #tpu.memory_space<vmem>> -> memref<128xf32, #tpu.memory_space<vmem>>
    %dma_start3A_190 = arith.constant 0 : i32
    %dma_start3A_191 = tpu.memref_slice %arg10[%add3A_185, %dma_start3A_190] : memref<8x128xi32, #tpu.memory_space<vmem>> -> memref<1x128xi32, #tpu.memory_space<vmem>>
    %dma_start3A_192 = tpu.memref_squeeze %dma_start3A_191 : memref<1x128xi32, #tpu.memory_space<vmem>> -> memref<128xi32, #tpu.memory_space<vmem>>
    %dma_start3A_193 = arith.constant 0 : i32
    %dma_start3A_194 = tpu.memref_slice %arg7[%dma_start3A_193] : memref<1000000xf32, #tpu.memory_space<hbm>> -> memref<1000000xf32, #tpu.memory_space<hbm>>
    tpu.enqueue_indirect_dma source(%dma_start3A_194 : memref<1000000xf32, #tpu.memory_space<hbm>>) target(%dma_start3A_189 : memref<128xf32, #tpu.memory_space<vmem>>) offsets(%dma_start3A_192 : memref<128xi32, #tpu.memory_space<vmem>>) semaphore(%arg21 : memref<!tpu.dma_semaphore, #tpu.memory_space<semaphore_mem>>)
    %mul3A_195 = arith.constant 4 : i32
    %mul3A_196 = arith.muli %arg0, %mul3A_195 : i32
    %add3A_197 = arith.constant 1 : i32
    %add3A_198 = arith.addi %mul3A_196, %add3A_197 : i32
    %dma_start3A_199 = arith.constant 1 : i32
    %dma_start3A_200 = arith.constant 0 : i32
    %dma_start3A_201 = tpu.memref_slice %arg13[%dma_start3A_199, %dma_start3A_200] : memref<4x128xf32, #tpu.memory_space<vmem>> -> memref<1x128xf32, #tpu.memory_space<vmem>>
    %dma_start3A_202 = tpu.memref_squeeze %dma_start3A_201 : memref<1x128xf32, #tpu.memory_space<vmem>> -> memref<128xf32, #tpu.memory_space<vmem>>
    %dma_start3A_203 = arith.constant 0 : i32
    %dma_start3A_204 = tpu.memref_slice %arg9[%add3A_198, %dma_start3A_203] : memref<8x128xi32, #tpu.memory_space<vmem>> -> memref<1x128xi32, #tpu.memory_space<vmem>>
    %dma_start3A_205 = tpu.memref_squeeze %dma_start3A_204 : memref<1x128xi32, #tpu.memory_space<vmem>> -> memref<128xi32, #tpu.memory_space<vmem>>
    %dma_start3A_206 = arith.constant 0 : i32
    %dma_start3A_207 = tpu.memref_slice %arg5[%dma_start3A_206] : memref<1000000xf32, #tpu.memory_space<hbm>> -> memref<1000000xf32, #tpu.memory_space<hbm>>
    tpu.enqueue_indirect_dma source(%dma_start3A_207 : memref<1000000xf32, #tpu.memory_space<hbm>>) target(%dma_start3A_202 : memref<128xf32, #tpu.memory_space<vmem>>) offsets(%dma_start3A_205 : memref<128xi32, #tpu.memory_space<vmem>>) semaphore(%arg21 : memref<!tpu.dma_semaphore, #tpu.memory_space<semaphore_mem>>)
    %mul3A_208 = arith.constant 4 : i32
    %mul3A_209 = arith.muli %arg0, %mul3A_208 : i32
    %add3A_210 = arith.constant 1 : i32
    %add3A_211 = arith.addi %mul3A_209, %add3A_210 : i32
    %dma_start3A_212 = arith.constant 1 : i32
    %dma_start3A_213 = arith.constant 0 : i32
    %dma_start3A_214 = tpu.memref_slice %arg14[%dma_start3A_212, %dma_start3A_213] : memref<4x128xf32, #tpu.memory_space<vmem>> -> memref<1x128xf32, #tpu.memory_space<vmem>>
    %dma_start3A_215 = tpu.memref_squeeze %dma_start3A_214 : memref<1x128xf32, #tpu.memory_space<vmem>> -> memref<128xf32, #tpu.memory_space<vmem>>
    %dma_start3A_216 = arith.constant 0 : i32
    %dma_start3A_217 = tpu.memref_slice %arg10[%add3A_211, %dma_start3A_216] : memref<8x128xi32, #tpu.memory_space<vmem>> -> memref<1x128xi32, #tpu.memory_space<vmem>>
    %dma_start3A_218 = tpu.memref_squeeze %dma_start3A_217 : memref<1x128xi32, #tpu.memory_space<vmem>> -> memref<128xi32, #tpu.memory_space<vmem>>
    %dma_start3A_219 = arith.constant 0 : i32
    %dma_start3A_220 = tpu.memref_slice %arg7[%dma_start3A_219] : memref<1000000xf32, #tpu.memory_space<hbm>> -> memref<1000000xf32, #tpu.memory_space<hbm>>
    tpu.enqueue_indirect_dma source(%dma_start3A_220 : memref<1000000xf32, #tpu.memory_space<hbm>>) target(%dma_start3A_215 : memref<128xf32, #tpu.memory_space<vmem>>) offsets(%dma_start3A_218 : memref<128xi32, #tpu.memory_space<vmem>>) semaphore(%arg21 : memref<!tpu.dma_semaphore, #tpu.memory_space<semaphore_mem>>)
    %mul3A_221 = arith.constant 4 : i32
    %mul3A_222 = arith.muli %arg0, %mul3A_221 : i32
    %add3A_223 = arith.constant 2 : i32
    %add3A_224 = arith.addi %mul3A_222, %add3A_223 : i32
    %dma_start3A_225 = arith.constant 2 : i32
    %dma_start3A_226 = arith.constant 0 : i32
    %dma_start3A_227 = tpu.memref_slice %arg13[%dma_start3A_225, %dma_start3A_226] : memref<4x128xf32, #tpu.memory_space<vmem>> -> memref<1x128xf32, #tpu.memory_space<vmem>>
    %dma_start3A_228 = tpu.memref_squeeze %dma_start3A_227 : memref<1x128xf32, #tpu.memory_space<vmem>> -> memref<128xf32, #tpu.memory_space<vmem>>
    %dma_start3A_229 = arith.constant 0 : i32
    %dma_start3A_230 = tpu.memref_slice %arg9[%add3A_224, %dma_start3A_229] : memref<8x128xi32, #tpu.memory_space<vmem>> -> memref<1x128xi32, #tpu.memory_space<vmem>>
    %dma_start3A_231 = tpu.memref_squeeze %dma_start3A_230 : memref<1x128xi32, #tpu.memory_space<vmem>> -> memref<128xi32, #tpu.memory_space<vmem>>
    %dma_start3A_232 = arith.constant 0 : i32
    %dma_start3A_233 = tpu.memref_slice %arg5[%dma_start3A_232] : memref<1000000xf32, #tpu.memory_space<hbm>> -> memref<1000000xf32, #tpu.memory_space<hbm>>
    tpu.enqueue_indirect_dma source(%dma_start3A_233 : memref<1000000xf32, #tpu.memory_space<hbm>>) target(%dma_start3A_228 : memref<128xf32, #tpu.memory_space<vmem>>) offsets(%dma_start3A_231 : memref<128xi32, #tpu.memory_space<vmem>>) semaphore(%arg21 : memref<!tpu.dma_semaphore, #tpu.memory_space<semaphore_mem>>)
    %mul3A_234 = arith.constant 4 : i32
    %mul3A_235 = arith.muli %arg0, %mul3A_234 : i32
    %add3A_236 = arith.constant 2 : i32
    %add3A_237 = arith.addi %mul3A_235, %add3A_236 : i32
    %dma_start3A_238 = arith.constant 2 : i32
    %dma_start3A_239 = arith.constant 0 : i32
    %dma_start3A_240 = tpu.memref_slice %arg14[%dma_start3A_238, %dma_start3A_239] : memref<4x128xf32, #tpu.memory_space<vmem>> -> memref<1x128xf32, #tpu.memory_space<vmem>>
    %dma_start3A_241 = tpu.memref_squeeze %dma_start3A_240 : memref<1x128xf32, #tpu.memory_space<vmem>> -> memref<128xf32, #tpu.memory_space<vmem>>
    %dma_start3A_242 = arith.constant 0 : i32
    %dma_start3A_243 = tpu.memref_slice %arg10[%add3A_237, %dma_start3A_242] : memref<8x128xi32, #tpu.memory_space<vmem>> -> memref<1x128xi32, #tpu.memory_space<vmem>>
    %dma_start3A_244 = tpu.memref_squeeze %dma_start3A_243 : memref<1x128xi32, #tpu.memory_space<vmem>> -> memref<128xi32, #tpu.memory_space<vmem>>
    %dma_start3A_245 = arith.constant 0 : i32
    %dma_start3A_246 = tpu.memref_slice %arg7[%dma_start3A_245] : memref<1000000xf32, #tpu.memory_space<hbm>> -> memref<1000000xf32, #tpu.memory_space<hbm>>
    tpu.enqueue_indirect_dma source(%dma_start3A_246 : memref<1000000xf32, #tpu.memory_space<hbm>>) target(%dma_start3A_241 : memref<128xf32, #tpu.memory_space<vmem>>) offsets(%dma_start3A_244 : memref<128xi32, #tpu.memory_space<vmem>>) semaphore(%arg21 : memref<!tpu.dma_semaphore, #tpu.memory_space<semaphore_mem>>)
    %mul3A_247 = arith.constant 4 : i32
    %mul3A_248 = arith.muli %arg0, %mul3A_247 : i32
    %add3A_249 = arith.constant 3 : i32
    %add3A_250 = arith.addi %mul3A_248, %add3A_249 : i32
    %dma_start3A_251 = arith.constant 3 : i32
    %dma_start3A_252 = arith.constant 0 : i32
    %dma_start3A_253 = tpu.memref_slice %arg13[%dma_start3A_251, %dma_start3A_252] : memref<4x128xf32, #tpu.memory_space<vmem>> -> memref<1x128xf32, #tpu.memory_space<vmem>>
    %dma_start3A_254 = tpu.memref_squeeze %dma_start3A_253 : memref<1x128xf32, #tpu.memory_space<vmem>> -> memref<128xf32, #tpu.memory_space<vmem>>
    %dma_start3A_255 = arith.constant 0 : i32
    %dma_start3A_256 = tpu.memref_slice %arg9[%add3A_250, %dma_start3A_255] : memref<8x128xi32, #tpu.memory_space<vmem>> -> memref<1x128xi32, #tpu.memory_space<vmem>>
    %dma_start3A_257 = tpu.memref_squeeze %dma_start3A_256 : memref<1x128xi32, #tpu.memory_space<vmem>> -> memref<128xi32, #tpu.memory_space<vmem>>
    %dma_start3A_258 = arith.constant 0 : i32
    %dma_start3A_259 = tpu.memref_slice %arg5[%dma_start3A_258] : memref<1000000xf32, #tpu.memory_space<hbm>> -> memref<1000000xf32, #tpu.memory_space<hbm>>
    tpu.enqueue_indirect_dma source(%dma_start3A_259 : memref<1000000xf32, #tpu.memory_space<hbm>>) target(%dma_start3A_254 : memref<128xf32, #tpu.memory_space<vmem>>) offsets(%dma_start3A_257 : memref<128xi32, #tpu.memory_space<vmem>>) semaphore(%arg21 : memref<!tpu.dma_semaphore, #tpu.memory_space<semaphore_mem>>)
    %mul3A_260 = arith.constant 4 : i32
    %mul3A_261 = arith.muli %arg0, %mul3A_260 : i32
    %add3A_262 = arith.constant 3 : i32
    %add3A_263 = arith.addi %mul3A_261, %add3A_262 : i32
    %dma_start3A_264 = arith.constant 3 : i32
    %dma_start3A_265 = arith.constant 0 : i32
    %dma_start3A_266 = tpu.memref_slice %arg14[%dma_start3A_264, %dma_start3A_265] : memref<4x128xf32, #tpu.memory_space<vmem>> -> memref<1x128xf32, #tpu.memory_space<vmem>>
    %dma_start3A_267 = tpu.memref_squeeze %dma_start3A_266 : memref<1x128xf32, #tpu.memory_space<vmem>> -> memref<128xf32, #tpu.memory_space<vmem>>
    %dma_start3A_268 = arith.constant 0 : i32
    %dma_start3A_269 = tpu.memref_slice %arg10[%add3A_263, %dma_start3A_268] : memref<8x128xi32, #tpu.memory_space<vmem>> -> memref<1x128xi32, #tpu.memory_space<vmem>>
    %dma_start3A_270 = tpu.memref_squeeze %dma_start3A_269 : memref<1x128xi32, #tpu.memory_space<vmem>> -> memref<128xi32, #tpu.memory_space<vmem>>
    %dma_start3A_271 = arith.constant 0 : i32
    %dma_start3A_272 = tpu.memref_slice %arg7[%dma_start3A_271] : memref<1000000xf32, #tpu.memory_space<hbm>> -> memref<1000000xf32, #tpu.memory_space<hbm>>
    tpu.enqueue_indirect_dma source(%dma_start3A_272 : memref<1000000xf32, #tpu.memory_space<hbm>>) target(%dma_start3A_267 : memref<128xf32, #tpu.memory_space<vmem>>) offsets(%dma_start3A_270 : memref<128xi32, #tpu.memory_space<vmem>>) semaphore(%arg21 : memref<!tpu.dma_semaphore, #tpu.memory_space<semaphore_mem>>)
    %dma_wait3A = arith.constant 0 : i32
    %dma_wait3A_273 = arith.constant 0 : i32
    %dma_wait3A_274 = arith.constant 0 : i32
    %dma_wait3A_275 = tpu.memref_slice %arg11[%dma_wait3A_273, %dma_wait3A_274] : memref<1024x16xf32, #tpu.memory_space<vmem>> -> memref<128x16xf32, #tpu.memory_space<vmem>>
    %dma_wait3A_276 = arith.constant 0 : i32
    %dma_wait3A_277 = tpu.memref_slice %arg9[%dma_wait3A, %dma_wait3A_276] : memref<8x128xi32, #tpu.memory_space<vmem>> -> memref<1x128xi32, #tpu.memory_space<vmem>>
    %dma_wait3A_278 = tpu.memref_squeeze %dma_wait3A_277 : memref<1x128xi32, #tpu.memory_space<vmem>> -> memref<128xi32, #tpu.memory_space<vmem>>
    %dma_wait3A_279 = arith.constant 0 : i32
    %dma_wait3A_280 = arith.constant 0 : i32
    %dma_wait3A_281 = tpu.memref_slice %arg4[%dma_wait3A_279, %dma_wait3A_280] : memref<1000000x16xf32, #tpu.memory_space<hbm>> -> memref<1000000x16xf32, #tpu.memory_space<hbm>>
    tpu.wait_indirect_dma semaphore(%arg21 : memref<!tpu.dma_semaphore, #tpu.memory_space<semaphore_mem>>) src(%dma_wait3A_281 : memref<1000000x16xf32, #tpu.memory_space<hbm>>) dst(%dma_wait3A_275 : memref<128x16xf32, #tpu.memory_space<vmem>>)
    %dma_wait3A_282 = arith.constant 0 : i32
    %dma_wait3A_283 = arith.constant 0 : i32
    %dma_wait3A_284 = arith.constant 0 : i32
    %dma_wait3A_285 = tpu.memref_slice %arg12[%dma_wait3A_283, %dma_wait3A_284] : memref<1024x16xf32, #tpu.memory_space<vmem>> -> memref<128x16xf32, #tpu.memory_space<vmem>>
    %dma_wait3A_286 = arith.constant 0 : i32
    %dma_wait3A_287 = tpu.memref_slice %arg10[%dma_wait3A_282, %dma_wait3A_286] : memref<8x128xi32, #tpu.memory_space<vmem>> -> memref<1x128xi32, #tpu.memory_space<vmem>>
    %dma_wait3A_288 = tpu.memref_squeeze %dma_wait3A_287 : memref<1x128xi32, #tpu.memory_space<vmem>> -> memref<128xi32, #tpu.memory_space<vmem>>
    %dma_wait3A_289 = arith.constant 0 : i32
    %dma_wait3A_290 = arith.constant 0 : i32
    %dma_wait3A_291 = tpu.memref_slice %arg6[%dma_wait3A_289, %dma_wait3A_290] : memref<1000000x16xf32, #tpu.memory_space<hbm>> -> memref<1000000x16xf32, #tpu.memory_space<hbm>>
    tpu.wait_indirect_dma semaphore(%arg21 : memref<!tpu.dma_semaphore, #tpu.memory_space<semaphore_mem>>) src(%dma_wait3A_291 : memref<1000000x16xf32, #tpu.memory_space<hbm>>) dst(%dma_wait3A_285 : memref<128x16xf32, #tpu.memory_space<vmem>>)
    %dma_wait3A_292 = arith.constant 1 : i32
    %dma_wait3A_293 = arith.constant 128 : i32
    %dma_wait3A_294 = arith.constant 0 : i32
    %dma_wait3A_295 = tpu.memref_slice %arg11[%dma_wait3A_293, %dma_wait3A_294] : memref<1024x16xf32, #tpu.memory_space<vmem>> -> memref<128x16xf32, #tpu.memory_space<vmem>>
    %dma_wait3A_296 = arith.constant 0 : i32
    %dma_wait3A_297 = tpu.memref_slice %arg9[%dma_wait3A_292, %dma_wait3A_296] : memref<8x128xi32, #tpu.memory_space<vmem>> -> memref<1x128xi32, #tpu.memory_space<vmem>>
    %dma_wait3A_298 = tpu.memref_squeeze %dma_wait3A_297 : memref<1x128xi32, #tpu.memory_space<vmem>> -> memref<128xi32, #tpu.memory_space<vmem>>
    %dma_wait3A_299 = arith.constant 0 : i32
    %dma_wait3A_300 = arith.constant 0 : i32
    %dma_wait3A_301 = tpu.memref_slice %arg4[%dma_wait3A_299, %dma_wait3A_300] : memref<1000000x16xf32, #tpu.memory_space<hbm>> -> memref<1000000x16xf32, #tpu.memory_space<hbm>>
    tpu.wait_indirect_dma semaphore(%arg21 : memref<!tpu.dma_semaphore, #tpu.memory_space<semaphore_mem>>) src(%dma_wait3A_301 : memref<1000000x16xf32, #tpu.memory_space<hbm>>) dst(%dma_wait3A_295 : memref<128x16xf32, #tpu.memory_space<vmem>>)
    %dma_wait3A_302 = arith.constant 1 : i32
    %dma_wait3A_303 = arith.constant 128 : i32
    %dma_wait3A_304 = arith.constant 0 : i32
    %dma_wait3A_305 = tpu.memref_slice %arg12[%dma_wait3A_303, %dma_wait3A_304] : memref<1024x16xf32, #tpu.memory_space<vmem>> -> memref<128x16xf32, #tpu.memory_space<vmem>>
    %dma_wait3A_306 = arith.constant 0 : i32
    %dma_wait3A_307 = tpu.memref_slice %arg10[%dma_wait3A_302, %dma_wait3A_306] : memref<8x128xi32, #tpu.memory_space<vmem>> -> memref<1x128xi32, #tpu.memory_space<vmem>>
    %dma_wait3A_308 = tpu.memref_squeeze %dma_wait3A_307 : memref<1x128xi32, #tpu.memory_space<vmem>> -> memref<128xi32, #tpu.memory_space<vmem>>
    %dma_wait3A_309 = arith.constant 0 : i32
    %dma_wait3A_310 = arith.constant 0 : i32
    %dma_wait3A_311 = tpu.memref_slice %arg6[%dma_wait3A_309, %dma_wait3A_310] : memref<1000000x16xf32, #tpu.memory_space<hbm>> -> memref<1000000x16xf32, #tpu.memory_space<hbm>>
    tpu.wait_indirect_dma semaphore(%arg21 : memref<!tpu.dma_semaphore, #tpu.memory_space<semaphore_mem>>) src(%dma_wait3A_311 : memref<1000000x16xf32, #tpu.memory_space<hbm>>) dst(%dma_wait3A_305 : memref<128x16xf32, #tpu.memory_space<vmem>>)
    %dma_wait3A_312 = arith.constant 2 : i32
    %dma_wait3A_313 = arith.constant 256 : i32
    %dma_wait3A_314 = arith.constant 0 : i32
    %dma_wait3A_315 = tpu.memref_slice %arg11[%dma_wait3A_313, %dma_wait3A_314] : memref<1024x16xf32, #tpu.memory_space<vmem>> -> memref<128x16xf32, #tpu.memory_space<vmem>>
    %dma_wait3A_316 = arith.constant 0 : i32
    %dma_wait3A_317 = tpu.memref_slice %arg9[%dma_wait3A_312, %dma_wait3A_316] : memref<8x128xi32, #tpu.memory_space<vmem>> -> memref<1x128xi32, #tpu.memory_space<vmem>>
    %dma_wait3A_318 = tpu.memref_squeeze %dma_wait3A_317 : memref<1x128xi32, #tpu.memory_space<vmem>> -> memref<128xi32, #tpu.memory_space<vmem>>
    %dma_wait3A_319 = arith.constant 0 : i32
    %dma_wait3A_320 = arith.constant 0 : i32
    %dma_wait3A_321 = tpu.memref_slice %arg4[%dma_wait3A_319, %dma_wait3A_320] : memref<1000000x16xf32, #tpu.memory_space<hbm>> -> memref<1000000x16xf32, #tpu.memory_space<hbm>>
    tpu.wait_indirect_dma semaphore(%arg21 : memref<!tpu.dma_semaphore, #tpu.memory_space<semaphore_mem>>) src(%dma_wait3A_321 : memref<1000000x16xf32, #tpu.memory_space<hbm>>) dst(%dma_wait3A_315 : memref<128x16xf32, #tpu.memory_space<vmem>>)
    %dma_wait3A_322 = arith.constant 2 : i32
    %dma_wait3A_323 = arith.constant 256 : i32
    %dma_wait3A_324 = arith.constant 0 : i32
    %dma_wait3A_325 = tpu.memref_slice %arg12[%dma_wait3A_323, %dma_wait3A_324] : memref<1024x16xf32, #tpu.memory_space<vmem>> -> memref<128x16xf32, #tpu.memory_space<vmem>>
    %dma_wait3A_326 = arith.constant 0 : i32
    %dma_wait3A_327 = tpu.memref_slice %arg10[%dma_wait3A_322, %dma_wait3A_326] : memref<8x128xi32, #tpu.memory_space<vmem>> -> memref<1x128xi32, #tpu.memory_space<vmem>>
    %dma_wait3A_328 = tpu.memref_squeeze %dma_wait3A_327 : memref<1x128xi32, #tpu.memory_space<vmem>> -> memref<128xi32, #tpu.memory_space<vmem>>
    %dma_wait3A_329 = arith.constant 0 : i32
    %dma_wait3A_330 = arith.constant 0 : i32
    %dma_wait3A_331 = tpu.memref_slice %arg6[%dma_wait3A_329, %dma_wait3A_330] : memref<1000000x16xf32, #tpu.memory_space<hbm>> -> memref<1000000x16xf32, #tpu.memory_space<hbm>>
    tpu.wait_indirect_dma semaphore(%arg21 : memref<!tpu.dma_semaphore, #tpu.memory_space<semaphore_mem>>) src(%dma_wait3A_331 : memref<1000000x16xf32, #tpu.memory_space<hbm>>) dst(%dma_wait3A_325 : memref<128x16xf32, #tpu.memory_space<vmem>>)
    %dma_wait3A_332 = arith.constant 3 : i32
    %dma_wait3A_333 = arith.constant 384 : i32
    %dma_wait3A_334 = arith.constant 0 : i32
    %dma_wait3A_335 = tpu.memref_slice %arg11[%dma_wait3A_333, %dma_wait3A_334] : memref<1024x16xf32, #tpu.memory_space<vmem>> -> memref<128x16xf32, #tpu.memory_space<vmem>>
    %dma_wait3A_336 = arith.constant 0 : i32
    %dma_wait3A_337 = tpu.memref_slice %arg9[%dma_wait3A_332, %dma_wait3A_336] : memref<8x128xi32, #tpu.memory_space<vmem>> -> memref<1x128xi32, #tpu.memory_space<vmem>>
    %dma_wait3A_338 = tpu.memref_squeeze %dma_wait3A_337 : memref<1x128xi32, #tpu.memory_space<vmem>> -> memref<128xi32, #tpu.memory_space<vmem>>
    %dma_wait3A_339 = arith.constant 0 : i32
    %dma_wait3A_340 = arith.constant 0 : i32
    %dma_wait3A_341 = tpu.memref_slice %arg4[%dma_wait3A_339, %dma_wait3A_340] : memref<1000000x16xf32, #tpu.memory_space<hbm>> -> memref<1000000x16xf32, #tpu.memory_space<hbm>>
    tpu.wait_indirect_dma semaphore(%arg21 : memref<!tpu.dma_semaphore, #tpu.memory_space<semaphore_mem>>) src(%dma_wait3A_341 : memref<1000000x16xf32, #tpu.memory_space<hbm>>) dst(%dma_wait3A_335 : memref<128x16xf32, #tpu.memory_space<vmem>>)
    %dma_wait3A_342 = arith.constant 3 : i32
    %dma_wait3A_343 = arith.constant 384 : i32
    %dma_wait3A_344 = arith.constant 0 : i32
    %dma_wait3A_345 = tpu.memref_slice %arg12[%dma_wait3A_343, %dma_wait3A_344] : memref<1024x16xf32, #tpu.memory_space<vmem>> -> memref<128x16xf32, #tpu.memory_space<vmem>>
    %dma_wait3A_346 = arith.constant 0 : i32
    %dma_wait3A_347 = tpu.memref_slice %arg10[%dma_wait3A_342, %dma_wait3A_346] : memref<8x128xi32, #tpu.memory_space<vmem>> -> memref<1x128xi32, #tpu.memory_space<vmem>>
    %dma_wait3A_348 = tpu.memref_squeeze %dma_wait3A_347 : memref<1x128xi32, #tpu.memory_space<vmem>> -> memref<128xi32, #tpu.memory_space<vmem>>
    %dma_wait3A_349 = arith.constant 0 : i32
    %dma_wait3A_350 = arith.constant 0 : i32
    %dma_wait3A_351 = tpu.memref_slice %arg6[%dma_wait3A_349, %dma_wait3A_350] : memref<1000000x16xf32, #tpu.memory_space<hbm>> -> memref<1000000x16xf32, #tpu.memory_space<hbm>>
    tpu.wait_indirect_dma semaphore(%arg21 : memref<!tpu.dma_semaphore, #tpu.memory_space<semaphore_mem>>) src(%dma_wait3A_351 : memref<1000000x16xf32, #tpu.memory_space<hbm>>) dst(%dma_wait3A_345 : memref<128x16xf32, #tpu.memory_space<vmem>>)
    %dma_wait3A_352 = arith.constant 4 : i32
    %dma_wait3A_353 = arith.constant 512 : i32
    %dma_wait3A_354 = arith.constant 0 : i32
    %dma_wait3A_355 = tpu.memref_slice %arg11[%dma_wait3A_353, %dma_wait3A_354] : memref<1024x16xf32, #tpu.memory_space<vmem>> -> memref<128x16xf32, #tpu.memory_space<vmem>>
    %dma_wait3A_356 = arith.constant 0 : i32
    %dma_wait3A_357 = tpu.memref_slice %arg9[%dma_wait3A_352, %dma_wait3A_356] : memref<8x128xi32, #tpu.memory_space<vmem>> -> memref<1x128xi32, #tpu.memory_space<vmem>>
    %dma_wait3A_358 = tpu.memref_squeeze %dma_wait3A_357 : memref<1x128xi32, #tpu.memory_space<vmem>> -> memref<128xi32, #tpu.memory_space<vmem>>
    %dma_wait3A_359 = arith.constant 0 : i32
    %dma_wait3A_360 = arith.constant 0 : i32
    %dma_wait3A_361 = tpu.memref_slice %arg4[%dma_wait3A_359, %dma_wait3A_360] : memref<1000000x16xf32, #tpu.memory_space<hbm>> -> memref<1000000x16xf32, #tpu.memory_space<hbm>>
    tpu.wait_indirect_dma semaphore(%arg21 : memref<!tpu.dma_semaphore, #tpu.memory_space<semaphore_mem>>) src(%dma_wait3A_361 : memref<1000000x16xf32, #tpu.memory_space<hbm>>) dst(%dma_wait3A_355 : memref<128x16xf32, #tpu.memory_space<vmem>>)
    %dma_wait3A_362 = arith.constant 4 : i32
    %dma_wait3A_363 = arith.constant 512 : i32
    %dma_wait3A_364 = arith.constant 0 : i32
    %dma_wait3A_365 = tpu.memref_slice %arg12[%dma_wait3A_363, %dma_wait3A_364] : memref<1024x16xf32, #tpu.memory_space<vmem>> -> memref<128x16xf32, #tpu.memory_space<vmem>>
    %dma_wait3A_366 = arith.constant 0 : i32
    %dma_wait3A_367 = tpu.memref_slice %arg10[%dma_wait3A_362, %dma_wait3A_366] : memref<8x128xi32, #tpu.memory_space<vmem>> -> memref<1x128xi32, #tpu.memory_space<vmem>>
    %dma_wait3A_368 = tpu.memref_squeeze %dma_wait3A_367 : memref<1x128xi32, #tpu.memory_space<vmem>> -> memref<128xi32, #tpu.memory_space<vmem>>
    %dma_wait3A_369 = arith.constant 0 : i32
    %dma_wait3A_370 = arith.constant 0 : i32
    %dma_wait3A_371 = tpu.memref_slice %arg6[%dma_wait3A_369, %dma_wait3A_370] : memref<1000000x16xf32, #tpu.memory_space<hbm>> -> memref<1000000x16xf32, #tpu.memory_space<hbm>>
    tpu.wait_indirect_dma semaphore(%arg21 : memref<!tpu.dma_semaphore, #tpu.memory_space<semaphore_mem>>) src(%dma_wait3A_371 : memref<1000000x16xf32, #tpu.memory_space<hbm>>) dst(%dma_wait3A_365 : memref<128x16xf32, #tpu.memory_space<vmem>>)
    %dma_wait3A_372 = arith.constant 5 : i32
    %dma_wait3A_373 = arith.constant 640 : i32
    %dma_wait3A_374 = arith.constant 0 : i32
    %dma_wait3A_375 = tpu.memref_slice %arg11[%dma_wait3A_373, %dma_wait3A_374] : memref<1024x16xf32, #tpu.memory_space<vmem>> -> memref<128x16xf32, #tpu.memory_space<vmem>>
    %dma_wait3A_376 = arith.constant 0 : i32
    %dma_wait3A_377 = tpu.memref_slice %arg9[%dma_wait3A_372, %dma_wait3A_376] : memref<8x128xi32, #tpu.memory_space<vmem>> -> memref<1x128xi32, #tpu.memory_space<vmem>>
    %dma_wait3A_378 = tpu.memref_squeeze %dma_wait3A_377 : memref<1x128xi32, #tpu.memory_space<vmem>> -> memref<128xi32, #tpu.memory_space<vmem>>
    %dma_wait3A_379 = arith.constant 0 : i32
    %dma_wait3A_380 = arith.constant 0 : i32
    %dma_wait3A_381 = tpu.memref_slice %arg4[%dma_wait3A_379, %dma_wait3A_380] : memref<1000000x16xf32, #tpu.memory_space<hbm>> -> memref<1000000x16xf32, #tpu.memory_space<hbm>>
    tpu.wait_indirect_dma semaphore(%arg21 : memref<!tpu.dma_semaphore, #tpu.memory_space<semaphore_mem>>) src(%dma_wait3A_381 : memref<1000000x16xf32, #tpu.memory_space<hbm>>) dst(%dma_wait3A_375 : memref<128x16xf32, #tpu.memory_space<vmem>>)
    %dma_wait3A_382 = arith.constant 5 : i32
    %dma_wait3A_383 = arith.constant 640 : i32
    %dma_wait3A_384 = arith.constant 0 : i32
    %dma_wait3A_385 = tpu.memref_slice %arg12[%dma_wait3A_383, %dma_wait3A_384] : memref<1024x16xf32, #tpu.memory_space<vmem>> -> memref<128x16xf32, #tpu.memory_space<vmem>>
    %dma_wait3A_386 = arith.constant 0 : i32
    %dma_wait3A_387 = tpu.memref_slice %arg10[%dma_wait3A_382, %dma_wait3A_386] : memref<8x128xi32, #tpu.memory_space<vmem>> -> memref<1x128xi32, #tpu.memory_space<vmem>>
    %dma_wait3A_388 = tpu.memref_squeeze %dma_wait3A_387 : memref<1x128xi32, #tpu.memory_space<vmem>> -> memref<128xi32, #tpu.memory_space<vmem>>
    %dma_wait3A_389 = arith.constant 0 : i32
    %dma_wait3A_390 = arith.constant 0 : i32
    %dma_wait3A_391 = tpu.memref_slice %arg6[%dma_wait3A_389, %dma_wait3A_390] : memref<1000000x16xf32, #tpu.memory_space<hbm>> -> memref<1000000x16xf32, #tpu.memory_space<hbm>>
    tpu.wait_indirect_dma semaphore(%arg21 : memref<!tpu.dma_semaphore, #tpu.memory_space<semaphore_mem>>) src(%dma_wait3A_391 : memref<1000000x16xf32, #tpu.memory_space<hbm>>) dst(%dma_wait3A_385 : memref<128x16xf32, #tpu.memory_space<vmem>>)
    %dma_wait3A_392 = arith.constant 6 : i32
    %dma_wait3A_393 = arith.constant 768 : i32
    %dma_wait3A_394 = arith.constant 0 : i32
    %dma_wait3A_395 = tpu.memref_slice %arg11[%dma_wait3A_393, %dma_wait3A_394] : memref<1024x16xf32, #tpu.memory_space<vmem>> -> memref<128x16xf32, #tpu.memory_space<vmem>>
    %dma_wait3A_396 = arith.constant 0 : i32
    %dma_wait3A_397 = tpu.memref_slice %arg9[%dma_wait3A_392, %dma_wait3A_396] : memref<8x128xi32, #tpu.memory_space<vmem>> -> memref<1x128xi32, #tpu.memory_space<vmem>>
    %dma_wait3A_398 = tpu.memref_squeeze %dma_wait3A_397 : memref<1x128xi32, #tpu.memory_space<vmem>> -> memref<128xi32, #tpu.memory_space<vmem>>
    %dma_wait3A_399 = arith.constant 0 : i32
    %dma_wait3A_400 = arith.constant 0 : i32
    %dma_wait3A_401 = tpu.memref_slice %arg4[%dma_wait3A_399, %dma_wait3A_400] : memref<1000000x16xf32, #tpu.memory_space<hbm>> -> memref<1000000x16xf32, #tpu.memory_space<hbm>>
    tpu.wait_indirect_dma semaphore(%arg21 : memref<!tpu.dma_semaphore, #tpu.memory_space<semaphore_mem>>) src(%dma_wait3A_401 : memref<1000000x16xf32, #tpu.memory_space<hbm>>) dst(%dma_wait3A_395 : memref<128x16xf32, #tpu.memory_space<vmem>>)
    %dma_wait3A_402 = arith.constant 6 : i32
    %dma_wait3A_403 = arith.constant 768 : i32
    %dma_wait3A_404 = arith.constant 0 : i32
    %dma_wait3A_405 = tpu.memref_slice %arg12[%dma_wait3A_403, %dma_wait3A_404] : memref<1024x16xf32, #tpu.memory_space<vmem>> -> memref<128x16xf32, #tpu.memory_space<vmem>>
    %dma_wait3A_406 = arith.constant 0 : i32
    %dma_wait3A_407 = tpu.memref_slice %arg10[%dma_wait3A_402, %dma_wait3A_406] : memref<8x128xi32, #tpu.memory_space<vmem>> -> memref<1x128xi32, #tpu.memory_space<vmem>>
    %dma_wait3A_408 = tpu.memref_squeeze %dma_wait3A_407 : memref<1x128xi32, #tpu.memory_space<vmem>> -> memref<128xi32, #tpu.memory_space<vmem>>
    %dma_wait3A_409 = arith.constant 0 : i32
    %dma_wait3A_410 = arith.constant 0 : i32
    %dma_wait3A_411 = tpu.memref_slice %arg6[%dma_wait3A_409, %dma_wait3A_410] : memref<1000000x16xf32, #tpu.memory_space<hbm>> -> memref<1000000x16xf32, #tpu.memory_space<hbm>>
    tpu.wait_indirect_dma semaphore(%arg21 : memref<!tpu.dma_semaphore, #tpu.memory_space<semaphore_mem>>) src(%dma_wait3A_411 : memref<1000000x16xf32, #tpu.memory_space<hbm>>) dst(%dma_wait3A_405 : memref<128x16xf32, #tpu.memory_space<vmem>>)
    %dma_wait3A_412 = arith.constant 7 : i32
    %dma_wait3A_413 = arith.constant 896 : i32
    %dma_wait3A_414 = arith.constant 0 : i32
    %dma_wait3A_415 = tpu.memref_slice %arg11[%dma_wait3A_413, %dma_wait3A_414] : memref<1024x16xf32, #tpu.memory_space<vmem>> -> memref<128x16xf32, #tpu.memory_space<vmem>>
    %dma_wait3A_416 = arith.constant 0 : i32
    %dma_wait3A_417 = tpu.memref_slice %arg9[%dma_wait3A_412, %dma_wait3A_416] : memref<8x128xi32, #tpu.memory_space<vmem>> -> memref<1x128xi32, #tpu.memory_space<vmem>>
    %dma_wait3A_418 = tpu.memref_squeeze %dma_wait3A_417 : memref<1x128xi32, #tpu.memory_space<vmem>> -> memref<128xi32, #tpu.memory_space<vmem>>
    %dma_wait3A_419 = arith.constant 0 : i32
    %dma_wait3A_420 = arith.constant 0 : i32
    %dma_wait3A_421 = tpu.memref_slice %arg4[%dma_wait3A_419, %dma_wait3A_420] : memref<1000000x16xf32, #tpu.memory_space<hbm>> -> memref<1000000x16xf32, #tpu.memory_space<hbm>>
    tpu.wait_indirect_dma semaphore(%arg21 : memref<!tpu.dma_semaphore, #tpu.memory_space<semaphore_mem>>) src(%dma_wait3A_421 : memref<1000000x16xf32, #tpu.memory_space<hbm>>) dst(%dma_wait3A_415 : memref<128x16xf32, #tpu.memory_space<vmem>>)
    %dma_wait3A_422 = arith.constant 7 : i32
    %dma_wait3A_423 = arith.constant 896 : i32
    %dma_wait3A_424 = arith.constant 0 : i32
    %dma_wait3A_425 = tpu.memref_slice %arg12[%dma_wait3A_423, %dma_wait3A_424] : memref<1024x16xf32, #tpu.memory_space<vmem>> -> memref<128x16xf32, #tpu.memory_space<vmem>>
    %dma_wait3A_426 = arith.constant 0 : i32
    %dma_wait3A_427 = tpu.memref_slice %arg10[%dma_wait3A_422, %dma_wait3A_426] : memref<8x128xi32, #tpu.memory_space<vmem>> -> memref<1x128xi32, #tpu.memory_space<vmem>>
    %dma_wait3A_428 = tpu.memref_squeeze %dma_wait3A_427 : memref<1x128xi32, #tpu.memory_space<vmem>> -> memref<128xi32, #tpu.memory_space<vmem>>
    %dma_wait3A_429 = arith.constant 0 : i32
    %dma_wait3A_430 = arith.constant 0 : i32
    %dma_wait3A_431 = tpu.memref_slice %arg6[%dma_wait3A_429, %dma_wait3A_430] : memref<1000000x16xf32, #tpu.memory_space<hbm>> -> memref<1000000x16xf32, #tpu.memory_space<hbm>>
    tpu.wait_indirect_dma semaphore(%arg21 : memref<!tpu.dma_semaphore, #tpu.memory_space<semaphore_mem>>) src(%dma_wait3A_431 : memref<1000000x16xf32, #tpu.memory_space<hbm>>) dst(%dma_wait3A_425 : memref<128x16xf32, #tpu.memory_space<vmem>>)
    %dma_wait3A_432 = arith.constant 0 : i32
    %dma_wait3A_433 = arith.constant 0 : i32
    %dma_wait3A_434 = tpu.memref_slice %arg13[%dma_wait3A_432, %dma_wait3A_433] : memref<4x128xf32, #tpu.memory_space<vmem>> -> memref<1x128xf32, #tpu.memory_space<vmem>>
    %dma_wait3A_435 = tpu.memref_squeeze %dma_wait3A_434 : memref<1x128xf32, #tpu.memory_space<vmem>> -> memref<128xf32, #tpu.memory_space<vmem>>
    %dma_wait3A_436 = arith.constant 0 : i32
    %dma_wait3A_437 = tpu.memref_slice %arg9[%add3A_172, %dma_wait3A_436] : memref<8x128xi32, #tpu.memory_space<vmem>> -> memref<1x128xi32, #tpu.memory_space<vmem>>
    %dma_wait3A_438 = tpu.memref_squeeze %dma_wait3A_437 : memref<1x128xi32, #tpu.memory_space<vmem>> -> memref<128xi32, #tpu.memory_space<vmem>>
    %dma_wait3A_439 = arith.constant 0 : i32
    %dma_wait3A_440 = tpu.memref_slice %arg5[%dma_wait3A_439] : memref<1000000xf32, #tpu.memory_space<hbm>> -> memref<1000000xf32, #tpu.memory_space<hbm>>
    tpu.wait_indirect_dma semaphore(%arg21 : memref<!tpu.dma_semaphore, #tpu.memory_space<semaphore_mem>>) src(%dma_wait3A_440 : memref<1000000xf32, #tpu.memory_space<hbm>>) dst(%dma_wait3A_435 : memref<128xf32, #tpu.memory_space<vmem>>)
    %dma_wait3A_441 = arith.constant 0 : i32
    %dma_wait3A_442 = arith.constant 0 : i32
    %dma_wait3A_443 = tpu.memref_slice %arg14[%dma_wait3A_441, %dma_wait3A_442] : memref<4x128xf32, #tpu.memory_space<vmem>> -> memref<1x128xf32, #tpu.memory_space<vmem>>
    %dma_wait3A_444 = tpu.memref_squeeze %dma_wait3A_443 : memref<1x128xf32, #tpu.memory_space<vmem>> -> memref<128xf32, #tpu.memory_space<vmem>>
    %dma_wait3A_445 = arith.constant 0 : i32
    %dma_wait3A_446 = tpu.memref_slice %arg10[%add3A_185, %dma_wait3A_445] : memref<8x128xi32, #tpu.memory_space<vmem>> -> memref<1x128xi32, #tpu.memory_space<vmem>>
    %dma_wait3A_447 = tpu.memref_squeeze %dma_wait3A_446 : memref<1x128xi32, #tpu.memory_space<vmem>> -> memref<128xi32, #tpu.memory_space<vmem>>
    %dma_wait3A_448 = arith.constant 0 : i32
    %dma_wait3A_449 = tpu.memref_slice %arg7[%dma_wait3A_448] : memref<1000000xf32, #tpu.memory_space<hbm>> -> memref<1000000xf32, #tpu.memory_space<hbm>>
    tpu.wait_indirect_dma semaphore(%arg21 : memref<!tpu.dma_semaphore, #tpu.memory_space<semaphore_mem>>) src(%dma_wait3A_449 : memref<1000000xf32, #tpu.memory_space<hbm>>) dst(%dma_wait3A_444 : memref<128xf32, #tpu.memory_space<vmem>>)
    %dma_wait3A_450 = arith.constant 1 : i32
    %dma_wait3A_451 = arith.constant 0 : i32
    %dma_wait3A_452 = tpu.memref_slice %arg13[%dma_wait3A_450, %dma_wait3A_451] : memref<4x128xf32, #tpu.memory_space<vmem>> -> memref<1x128xf32, #tpu.memory_space<vmem>>
    %dma_wait3A_453 = tpu.memref_squeeze %dma_wait3A_452 : memref<1x128xf32, #tpu.memory_space<vmem>> -> memref<128xf32, #tpu.memory_space<vmem>>
    %dma_wait3A_454 = arith.constant 0 : i32
    %dma_wait3A_455 = tpu.memref_slice %arg9[%add3A_198, %dma_wait3A_454] : memref<8x128xi32, #tpu.memory_space<vmem>> -> memref<1x128xi32, #tpu.memory_space<vmem>>
    %dma_wait3A_456 = tpu.memref_squeeze %dma_wait3A_455 : memref<1x128xi32, #tpu.memory_space<vmem>> -> memref<128xi32, #tpu.memory_space<vmem>>
    %dma_wait3A_457 = arith.constant 0 : i32
    %dma_wait3A_458 = tpu.memref_slice %arg5[%dma_wait3A_457] : memref<1000000xf32, #tpu.memory_space<hbm>> -> memref<1000000xf32, #tpu.memory_space<hbm>>
    tpu.wait_indirect_dma semaphore(%arg21 : memref<!tpu.dma_semaphore, #tpu.memory_space<semaphore_mem>>) src(%dma_wait3A_458 : memref<1000000xf32, #tpu.memory_space<hbm>>) dst(%dma_wait3A_453 : memref<128xf32, #tpu.memory_space<vmem>>)
    %dma_wait3A_459 = arith.constant 1 : i32
    %dma_wait3A_460 = arith.constant 0 : i32
    %dma_wait3A_461 = tpu.memref_slice %arg14[%dma_wait3A_459, %dma_wait3A_460] : memref<4x128xf32, #tpu.memory_space<vmem>> -> memref<1x128xf32, #tpu.memory_space<vmem>>
    %dma_wait3A_462 = tpu.memref_squeeze %dma_wait3A_461 : memref<1x128xf32, #tpu.memory_space<vmem>> -> memref<128xf32, #tpu.memory_space<vmem>>
    %dma_wait3A_463 = arith.constant 0 : i32
    %dma_wait3A_464 = tpu.memref_slice %arg10[%add3A_211, %dma_wait3A_463] : memref<8x128xi32, #tpu.memory_space<vmem>> -> memref<1x128xi32, #tpu.memory_space<vmem>>
    %dma_wait3A_465 = tpu.memref_squeeze %dma_wait3A_464 : memref<1x128xi32, #tpu.memory_space<vmem>> -> memref<128xi32, #tpu.memory_space<vmem>>
    %dma_wait3A_466 = arith.constant 0 : i32
    %dma_wait3A_467 = tpu.memref_slice %arg7[%dma_wait3A_466] : memref<1000000xf32, #tpu.memory_space<hbm>> -> memref<1000000xf32, #tpu.memory_space<hbm>>
    tpu.wait_indirect_dma semaphore(%arg21 : memref<!tpu.dma_semaphore, #tpu.memory_space<semaphore_mem>>) src(%dma_wait3A_467 : memref<1000000xf32, #tpu.memory_space<hbm>>) dst(%dma_wait3A_462 : memref<128xf32, #tpu.memory_space<vmem>>)
    %dma_wait3A_468 = arith.constant 2 : i32
    %dma_wait3A_469 = arith.constant 0 : i32
    %dma_wait3A_470 = tpu.memref_slice %arg13[%dma_wait3A_468, %dma_wait3A_469] : memref<4x128xf32, #tpu.memory_space<vmem>> -> memref<1x128xf32, #tpu.memory_space<vmem>>
    %dma_wait3A_471 = tpu.memref_squeeze %dma_wait3A_470 : memref<1x128xf32, #tpu.memory_space<vmem>> -> memref<128xf32, #tpu.memory_space<vmem>>
    %dma_wait3A_472 = arith.constant 0 : i32
    %dma_wait3A_473 = tpu.memref_slice %arg9[%add3A_224, %dma_wait3A_472] : memref<8x128xi32, #tpu.memory_space<vmem>> -> memref<1x128xi32, #tpu.memory_space<vmem>>
    %dma_wait3A_474 = tpu.memref_squeeze %dma_wait3A_473 : memref<1x128xi32, #tpu.memory_space<vmem>> -> memref<128xi32, #tpu.memory_space<vmem>>
    %dma_wait3A_475 = arith.constant 0 : i32
    %dma_wait3A_476 = tpu.memref_slice %arg5[%dma_wait3A_475] : memref<1000000xf32, #tpu.memory_space<hbm>> -> memref<1000000xf32, #tpu.memory_space<hbm>>
    tpu.wait_indirect_dma semaphore(%arg21 : memref<!tpu.dma_semaphore, #tpu.memory_space<semaphore_mem>>) src(%dma_wait3A_476 : memref<1000000xf32, #tpu.memory_space<hbm>>) dst(%dma_wait3A_471 : memref<128xf32, #tpu.memory_space<vmem>>)
    %dma_wait3A_477 = arith.constant 2 : i32
    %dma_wait3A_478 = arith.constant 0 : i32
    %dma_wait3A_479 = tpu.memref_slice %arg14[%dma_wait3A_477, %dma_wait3A_478] : memref<4x128xf32, #tpu.memory_space<vmem>> -> memref<1x128xf32, #tpu.memory_space<vmem>>
    %dma_wait3A_480 = tpu.memref_squeeze %dma_wait3A_479 : memref<1x128xf32, #tpu.memory_space<vmem>> -> memref<128xf32, #tpu.memory_space<vmem>>
    %dma_wait3A_481 = arith.constant 0 : i32
    %dma_wait3A_482 = tpu.memref_slice %arg10[%add3A_237, %dma_wait3A_481] : memref<8x128xi32, #tpu.memory_space<vmem>> -> memref<1x128xi32, #tpu.memory_space<vmem>>
    %dma_wait3A_483 = tpu.memref_squeeze %dma_wait3A_482 : memref<1x128xi32, #tpu.memory_space<vmem>> -> memref<128xi32, #tpu.memory_space<vmem>>
    %dma_wait3A_484 = arith.constant 0 : i32
    %dma_wait3A_485 = tpu.memref_slice %arg7[%dma_wait3A_484] : memref<1000000xf32, #tpu.memory_space<hbm>> -> memref<1000000xf32, #tpu.memory_space<hbm>>
    tpu.wait_indirect_dma semaphore(%arg21 : memref<!tpu.dma_semaphore, #tpu.memory_space<semaphore_mem>>) src(%dma_wait3A_485 : memref<1000000xf32, #tpu.memory_space<hbm>>) dst(%dma_wait3A_480 : memref<128xf32, #tpu.memory_space<vmem>>)
    %dma_wait3A_486 = arith.constant 3 : i32
    %dma_wait3A_487 = arith.constant 0 : i32
    %dma_wait3A_488 = tpu.memref_slice %arg13[%dma_wait3A_486, %dma_wait3A_487] : memref<4x128xf32, #tpu.memory_space<vmem>> -> memref<1x128xf32, #tpu.memory_space<vmem>>
    %dma_wait3A_489 = tpu.memref_squeeze %dma_wait3A_488 : memref<1x128xf32, #tpu.memory_space<vmem>> -> memref<128xf32, #tpu.memory_space<vmem>>
    %dma_wait3A_490 = arith.constant 0 : i32
    %dma_wait3A_491 = tpu.memref_slice %arg9[%add3A_250, %dma_wait3A_490] : memref<8x128xi32, #tpu.memory_space<vmem>> -> memref<1x128xi32, #tpu.memory_space<vmem>>
    %dma_wait3A_492 = tpu.memref_squeeze %dma_wait3A_491 : memref<1x128xi32, #tpu.memory_space<vmem>> -> memref<128xi32, #tpu.memory_space<vmem>>
    %dma_wait3A_493 = arith.constant 0 : i32
    %dma_wait3A_494 = tpu.memref_slice %arg5[%dma_wait3A_493] : memref<1000000xf32, #tpu.memory_space<hbm>> -> memref<1000000xf32, #tpu.memory_space<hbm>>
    tpu.wait_indirect_dma semaphore(%arg21 : memref<!tpu.dma_semaphore, #tpu.memory_space<semaphore_mem>>) src(%dma_wait3A_494 : memref<1000000xf32, #tpu.memory_space<hbm>>) dst(%dma_wait3A_489 : memref<128xf32, #tpu.memory_space<vmem>>)
    %dma_wait3A_495 = arith.constant 3 : i32
    %dma_wait3A_496 = arith.constant 0 : i32
    %dma_wait3A_497 = tpu.memref_slice %arg14[%dma_wait3A_495, %dma_wait3A_496] : memref<4x128xf32, #tpu.memory_space<vmem>> -> memref<1x128xf32, #tpu.memory_space<vmem>>
    %dma_wait3A_498 = tpu.memref_squeeze %dma_wait3A_497 : memref<1x128xf32, #tpu.memory_space<vmem>> -> memref<128xf32, #tpu.memory_space<vmem>>
    %dma_wait3A_499 = arith.constant 0 : i32
    %dma_wait3A_500 = tpu.memref_slice %arg10[%add3A_263, %dma_wait3A_499] : memref<8x128xi32, #tpu.memory_space<vmem>> -> memref<1x128xi32, #tpu.memory_space<vmem>>
    %dma_wait3A_501 = tpu.memref_squeeze %dma_wait3A_500 : memref<1x128xi32, #tpu.memory_space<vmem>> -> memref<128xi32, #tpu.memory_space<vmem>>
    %dma_wait3A_502 = arith.constant 0 : i32
    %dma_wait3A_503 = tpu.memref_slice %arg7[%dma_wait3A_502] : memref<1000000xf32, #tpu.memory_space<hbm>> -> memref<1000000xf32, #tpu.memory_space<hbm>>
    tpu.wait_indirect_dma semaphore(%arg21 : memref<!tpu.dma_semaphore, #tpu.memory_space<semaphore_mem>>) src(%dma_wait3A_503 : memref<1000000xf32, #tpu.memory_space<hbm>>) dst(%dma_wait3A_498 : memref<128xf32, #tpu.memory_space<vmem>>)
    %broadcast_in_dim3A_504 = arith.constant 0.000000e+00 : f32
    %broadcast_in_dim3A_505 = vector.broadcast %broadcast_in_dim3A_504 : f32 to vector<16xf32>
    %scan3A = arith.constant 0 : i32
    %scan3A_506 = arith.constant 1024 : i32
    %scan3A_507 = arith.addi %scan3A, %scan3A_506 : i32
    %scan3A_508 = arith.constant 8 : i32
    %scan3A_509 = scf.for %scan3A_1037 = %scan3A to %scan3A_507 step %scan3A_508 iter_args(%scan3A_1038 = %broadcast_in_dim3A_505) -> (vector<16xf32>)  : i32 {
      %get3A_1039 = arith.index_cast %scan3A_1037 : i32 to index
      %get3A_1040 = arith.constant 0 : index
      %get3A_1041 = tpu.vector_load %arg11[%get3A_1039, %get3A_1040] {strides = array<i32>} : memref<1024x16xf32, #tpu.memory_space<vmem>>, vector<1x16xf32>,
      %get3A_1042 = vector.shape_cast %get3A_1041 : vector<1x16xf32> to vector<16xf32>
      %get3A_1043 = arith.index_cast %scan3A_1037 : i32 to index
      %get3A_1044 = arith.constant 0 : index
      %get3A_1045 = tpu.vector_load %arg12[%get3A_1043, %get3A_1044] {strides = array<i32>} : memref<1024x16xf32, #tpu.memory_space<vmem>>, vector<1x16xf32>,
      %get3A_1046 = vector.shape_cast %get3A_1045 : vector<1x16xf32> to vector<16xf32>
      %mul3A_1047 = arith.mulf %get3A_1042, %get3A_1046 : vector<16xf32>
      %add3A_1048 = arith.addf %scan3A_1038, %mul3A_1047 : vector<16xf32>
      %scan3A_1049 = arith.constant 1 : i32
      %scan3A_1050 = arith.addi %scan3A_1037, %scan3A_1049 : i32
      %get3A_1051 = arith.index_cast %scan3A_1050 : i32 to index
      %get3A_1052 = arith.constant 0 : index
      %get3A_1053 = tpu.vector_load %arg11[%get3A_1051, %get3A_1052] {strides = array<i32>} : memref<1024x16xf32, #tpu.memory_space<vmem>>, vector<1x16xf32>,
      %get3A_1054 = vector.shape_cast %get3A_1053 : vector<1x16xf32> to vector<16xf32>
      %get3A_1055 = arith.index_cast %scan3A_1050 : i32 to index
      %get3A_1056 = arith.constant 0 : index
      %get3A_1057 = tpu.vector_load %arg12[%get3A_1055, %get3A_1056] {strides = array<i32>} : memref<1024x16xf32, #tpu.memory_space<vmem>>, vector<1x16xf32>,
      %get3A_1058 = vector.shape_cast %get3A_1057 : vector<1x16xf32> to vector<16xf32>
      %mul3A_1059 = arith.mulf %get3A_1054, %get3A_1058 : vector<16xf32>
      %add3A_1060 = arith.addf %add3A_1048, %mul3A_1059 : vector<16xf32>
      %scan3A_1061 = arith.constant 2 : i32
      %scan3A_1062 = arith.addi %scan3A_1037, %scan3A_1061 : i32
      %get3A_1063 = arith.index_cast %scan3A_1062 : i32 to index
      %get3A_1064 = arith.constant 0 : index
      %get3A_1065 = tpu.vector_load %arg11[%get3A_1063, %get3A_1064] {strides = array<i32>} : memref<1024x16xf32, #tpu.memory_space<vmem>>, vector<1x16xf32>,
      %get3A_1066 = vector.shape_cast %get3A_1065 : vector<1x16xf32> to vector<16xf32>
      %get3A_1067 = arith.index_cast %scan3A_1062 : i32 to index
      %get3A_1068 = arith.constant 0 : index
      %get3A_1069 = tpu.vector_load %arg12[%get3A_1067, %get3A_1068] {strides = array<i32>} : memref<1024x16xf32, #tpu.memory_space<vmem>>, vector<1x16xf32>,
      %get3A_1070 = vector.shape_cast %get3A_1069 : vector<1x16xf32> to vector<16xf32>
      %mul3A_1071 = arith.mulf %get3A_1066, %get3A_1070 : vector<16xf32>
      %add3A_1072 = arith.addf %add3A_1060, %mul3A_1071 : vector<16xf32>
      %scan3A_1073 = arith.constant 3 : i32
      %scan3A_1074 = arith.addi %scan3A_1037, %scan3A_1073 : i32
      %get3A_1075 = arith.index_cast %scan3A_1074 : i32 to index
      %get3A_1076 = arith.constant 0 : index
      %get3A_1077 = tpu.vector_load %arg11[%get3A_1075, %get3A_1076] {strides = array<i32>} : memref<1024x16xf32, #tpu.memory_space<vmem>>, vector<1x16xf32>,
      %get3A_1078 = vector.shape_cast %get3A_1077 : vector<1x16xf32> to vector<16xf32>
      %get3A_1079 = arith.index_cast %scan3A_1074 : i32 to index
      %get3A_1080 = arith.constant 0 : index
      %get3A_1081 = tpu.vector_load %arg12[%get3A_1079, %get3A_1080] {strides = array<i32>} : memref<1024x16xf32, #tpu.memory_space<vmem>>, vector<1x16xf32>,
      %get3A_1082 = vector.shape_cast %get3A_1081 : vector<1x16xf32> to vector<16xf32>
      %mul3A_1083 = arith.mulf %get3A_1078, %get3A_1082 : vector<16xf32>
      %add3A_1084 = arith.addf %add3A_1072, %mul3A_1083 : vector<16xf32>
      %scan3A_1085 = arith.constant 4 : i32
      %scan3A_1086 = arith.addi %scan3A_1037, %scan3A_1085 : i32
      %get3A_1087 = arith.index_cast %scan3A_1086 : i32 to index
      %get3A_1088 = arith.constant 0 : index
      %get3A_1089 = tpu.vector_load %arg11[%get3A_1087, %get3A_1088] {strides = array<i32>} : memref<1024x16xf32, #tpu.memory_space<vmem>>, vector<1x16xf32>,
      %get3A_1090 = vector.shape_cast %get3A_1089 : vector<1x16xf32> to vector<16xf32>
      %get3A_1091 = arith.index_cast %scan3A_1086 : i32 to index
      %get3A_1092 = arith.constant 0 : index
      %get3A_1093 = tpu.vector_load %arg12[%get3A_1091, %get3A_1092] {strides = array<i32>} : memref<1024x16xf32, #tpu.memory_space<vmem>>, vector<1x16xf32>,
      %get3A_1094 = vector.shape_cast %get3A_1093 : vector<1x16xf32> to vector<16xf32>
      %mul3A_1095 = arith.mulf %get3A_1090, %get3A_1094 : vector<16xf32>
      %add3A_1096 = arith.addf %add3A_1084, %mul3A_1095 : vector<16xf32>
      %scan3A_1097 = arith.constant 5 : i32
      %scan3A_1098 = arith.addi %scan3A_1037, %scan3A_1097 : i32
      %get3A_1099 = arith.index_cast %scan3A_1098 : i32 to index
      %get3A_1100 = arith.constant 0 : index
      %get3A_1101 = tpu.vector_load %arg11[%get3A_1099, %get3A_1100] {strides = array<i32>} : memref<1024x16xf32, #tpu.memory_space<vmem>>, vector<1x16xf32>,
      %get3A_1102 = vector.shape_cast %get3A_1101 : vector<1x16xf32> to vector<16xf32>
      %get3A_1103 = arith.index_cast %scan3A_1098 : i32 to index
      %get3A_1104 = arith.constant 0 : index
      %get3A_1105 = tpu.vector_load %arg12[%get3A_1103, %get3A_1104] {strides = array<i32>} : memref<1024x16xf32, #tpu.memory_space<vmem>>, vector<1x16xf32>,
      %get3A_1106 = vector.shape_cast %get3A_1105 : vector<1x16xf32> to vector<16xf32>
      %mul3A_1107 = arith.mulf %get3A_1102, %get3A_1106 : vector<16xf32>
      %add3A_1108 = arith.addf %add3A_1096, %mul3A_1107 : vector<16xf32>
      %scan3A_1109 = arith.constant 6 : i32
      %scan3A_1110 = arith.addi %scan3A_1037, %scan3A_1109 : i32
      %get3A_1111 = arith.index_cast %scan3A_1110 : i32 to index
      %get3A_1112 = arith.constant 0 : index
      %get3A_1113 = tpu.vector_load %arg11[%get3A_1111, %get3A_1112] {strides = array<i32>} : memref<1024x16xf32, #tpu.memory_space<vmem>>, vector<1x16xf32>,
      %get3A_1114 = vector.shape_cast %get3A_1113 : vector<1x16xf32> to vector<16xf32>
      %get3A_1115 = arith.index_cast %scan3A_1110 : i32 to index
      %get3A_1116 = arith.constant 0 : index
      %get3A_1117 = tpu.vector_load %arg12[%get3A_1115, %get3A_1116] {strides = array<i32>} : memref<1024x16xf32, #tpu.memory_space<vmem>>, vector<1x16xf32>,
      %get3A_1118 = vector.shape_cast %get3A_1117 : vector<1x16xf32> to vector<16xf32>
      %mul3A_1119 = arith.mulf %get3A_1114, %get3A_1118 : vector<16xf32>
      %add3A_1120 = arith.addf %add3A_1108, %mul3A_1119 : vector<16xf32>
      %scan3A_1121 = arith.constant 7 : i32
      %scan3A_1122 = arith.addi %scan3A_1037, %scan3A_1121 : i32
      %get3A_1123 = arith.index_cast %scan3A_1122 : i32 to index
      %get3A_1124 = arith.constant 0 : index
      %get3A_1125 = tpu.vector_load %arg11[%get3A_1123, %get3A_1124] {strides = array<i32>} : memref<1024x16xf32, #tpu.memory_space<vmem>>, vector<1x16xf32>,
      %get3A_1126 = vector.shape_cast %get3A_1125 : vector<1x16xf32> to vector<16xf32>
      %get3A_1127 = arith.index_cast %scan3A_1122 : i32 to index
      %get3A_1128 = arith.constant 0 : index
      %get3A_1129 = tpu.vector_load %arg12[%get3A_1127, %get3A_1128] {strides = array<i32>} : memref<1024x16xf32, #tpu.memory_space<vmem>>, vector<1x16xf32>,
      %get3A_1130 = vector.shape_cast %get3A_1129 : vector<1x16xf32> to vector<16xf32>
      %mul3A_1131 = arith.mulf %get3A_1126, %get3A_1130 : vector<16xf32>
      %add3A_1132 = arith.addf %add3A_1120, %mul3A_1131 : vector<16xf32>
      scf.yield %add3A_1132 : vector<16xf32>
    }
    %scan3A_510 = arith.constant 1024 : i32
    %swap3A_511 = arith.constant 0 : index
    %swap3A_512 = tpu.vector_load %arg16[%swap3A_511] {strides = array<i32>} : memref<16xf32, #tpu.memory_space<vmem>>, vector<16xf32>,
    %swap3A_513 = vector.shape_cast %swap3A_512 : vector<16xf32> to vector<16xf32>
    %swap3A_514 = vector.shape_cast %scan3A_509 : vector<16xf32> to vector<16xf32>
    tpu.vector_store %arg16[%swap3A_511], %swap3A_514 {strides = array<i32>} : memref<16xf32, #tpu.memory_space<vmem>>, vector<16xf32>,
    "tpu.region"() ({
      %run_scoped3A = tpu.sem_alloc : memref<!tpu.dma_semaphore, #tpu.memory_space<semaphore_mem>>
      %dma_start3A_1037 = arith.constant 0 : i32
      %dma_start3A_1038 = tpu.memref_slice %arg20[%dma_start3A_1037] : memref<16xf32, #tpu.memory_space<vmem_shared>> -> memref<16xf32, #tpu.memory_space<vmem_shared>>
      tpu.enqueue_indirect_dma source(%arg16 : memref<16xf32, #tpu.memory_space<vmem>>) target(%dma_start3A_1038 : memref<16xf32, #tpu.memory_space<vmem_shared>>) offsets(%arg17 : memref<16xi32, #tpu.memory_space<vmem>>) semaphore(%run_scoped3A : memref<!tpu.dma_semaphore, #tpu.memory_space<semaphore_mem>>) {add = true}
      %dma_wait3A_1039 = arith.constant 0 : i32
      %dma_wait3A_1040 = tpu.memref_slice %arg20[%dma_wait3A_1039] : memref<16xf32, #tpu.memory_space<vmem_shared>> -> memref<16xf32, #tpu.memory_space<vmem_shared>>
      tpu.wait_indirect_dma semaphore(%run_scoped3A : memref<!tpu.dma_semaphore, #tpu.memory_space<semaphore_mem>>) src(%arg16 : memref<16xf32, #tpu.memory_space<vmem>>) dst(%dma_wait3A_1040 : memref<16xf32, #tpu.memory_space<vmem_shared>>)
      tpu.yield
    }) : () -> ()
    %barrier3A_515 = arith.constant 0 : index
    tpu.barrier barrier_id(%barrier3A_515)
    %dma_start3A_516 = arith.constant 0 : i32
    %dma_start3A_517 = tpu.memref_slice %arg20[%dma_start3A_516] : memref<16xf32, #tpu.memory_space<vmem_shared>> -> memref<16xf32, #tpu.memory_space<vmem_shared>>
    tpu.enqueue_indirect_dma source(%dma_start3A_517 : memref<16xf32, #tpu.memory_space<vmem_shared>>) target(%arg19 : memref<16xf32, #tpu.memory_space<vmem>>) offsets(%arg17 : memref<16xi32, #tpu.memory_space<vmem>>) semaphore(%arg21 : memref<!tpu.dma_semaphore, #tpu.memory_space<semaphore_mem>>)
    %dma_wait3A_518 = arith.constant 0 : i32
    %dma_wait3A_519 = tpu.memref_slice %arg20[%dma_wait3A_518] : memref<16xf32, #tpu.memory_space<vmem_shared>> -> memref<16xf32, #tpu.memory_space<vmem_shared>>
    tpu.wait_indirect_dma semaphore(%arg21 : memref<!tpu.dma_semaphore, #tpu.memory_space<semaphore_mem>>) src(%dma_wait3A_519 : memref<16xf32, #tpu.memory_space<vmem_shared>>) dst(%arg19 : memref<16xf32, #tpu.memory_space<vmem>>)
    %get3A = arith.constant 0 : index
    %get3A_520 = tpu.vector_load %arg19[%get3A] {strides = array<i32>} : memref<16xf32, #tpu.memory_space<vmem>>, vector<16xf32>,
    %get3A_521 = vector.shape_cast %get3A_520 : vector<16xf32> to vector<16xf32>
    %get3A_522 = arith.constant 0 : i32
    %get3A_523 = arith.index_cast %get3A_522 : i32 to index
    %get3A_524 = arith.constant 0 : index
    %get3A_525 = tpu.vector_load %arg13[%get3A_523, %get3A_524] {strides = array<i32>} : memref<4x128xf32, #tpu.memory_space<vmem>>, vector<1x16xf32>,
    %get3A_526 = vector.shape_cast %get3A_525 : vector<1x16xf32> to vector<16xf32>
    %get3A_527 = arith.constant 0 : i32
    %get3A_528 = arith.index_cast %get3A_527 : i32 to index
    %get3A_529 = arith.constant 0 : index
    %get3A_530 = tpu.vector_load %arg14[%get3A_528, %get3A_529] {strides = array<i32>} : memref<4x128xf32, #tpu.memory_space<vmem>>, vector<1x16xf32>,
    %get3A_531 = vector.shape_cast %get3A_530 : vector<1x16xf32> to vector<16xf32>
    %add3A_532 = arith.addf %get3A_526, %get3A_531 : vector<16xf32>
    %add3A_533 = arith.addf %add3A_532, %get3A_521 : vector<16xf32>
    %swap3A_534 = arith.constant 0 : index
    %swap3A_535 = tpu.vector_load %arg15[%swap3A_534] {strides = array<i32>} : memref<512xf32, #tpu.memory_space<vmem>>, vector<16xf32>,
    %swap3A_536 = vector.shape_cast %swap3A_535 : vector<16xf32> to vector<16xf32>
    %swap3A_537 = vector.shape_cast %add3A_533 : vector<16xf32> to vector<16xf32>
    tpu.vector_store %arg15[%swap3A_534], %swap3A_537 {strides = array<i32>} : memref<512xf32, #tpu.memory_space<vmem>>, vector<16xf32>,
    %get3A_538 = arith.constant 0 : i32
    %get3A_539 = arith.index_cast %get3A_538 : i32 to index
    %get3A_540 = arith.constant 16 : index
    %get3A_541 = tpu.vector_load %arg13[%get3A_539, %get3A_540] {strides = array<i32>} : memref<4x128xf32, #tpu.memory_space<vmem>>, vector<1x16xf32>,
    %get3A_542 = vector.shape_cast %get3A_541 : vector<1x16xf32> to vector<16xf32>
    %get3A_543 = arith.constant 0 : i32
    %get3A_544 = arith.index_cast %get3A_543 : i32 to index
    %get3A_545 = arith.constant 16 : index
    %get3A_546 = tpu.vector_load %arg14[%get3A_544, %get3A_545] {strides = array<i32>} : memref<4x128xf32, #tpu.memory_space<vmem>>, vector<1x16xf32>,
    %get3A_547 = vector.shape_cast %get3A_546 : vector<1x16xf32> to vector<16xf32>
    %add3A_548 = arith.addf %get3A_542, %get3A_547 : vector<16xf32>
    %add3A_549 = arith.addf %add3A_548, %get3A_521 : vector<16xf32>
    %swap3A_550 = arith.constant 16 : index
    %swap3A_551 = tpu.vector_load %arg15[%swap3A_550] {strides = array<i32>} : memref<512xf32, #tpu.memory_space<vmem>>, vector<16xf32>,
    %swap3A_552 = vector.shape_cast %swap3A_551 : vector<16xf32> to vector<16xf32>
    %swap3A_553 = vector.shape_cast %add3A_549 : vector<16xf32> to vector<16xf32>
    tpu.vector_store %arg15[%swap3A_550], %swap3A_553 {strides = array<i32>} : memref<512xf32, #tpu.memory_space<vmem>>, vector<16xf32>,
    %get3A_554 = arith.constant 0 : i32
    %get3A_555 = arith.index_cast %get3A_554 : i32 to index
    %get3A_556 = arith.constant 32 : index
    %get3A_557 = tpu.vector_load %arg13[%get3A_555, %get3A_556] {strides = array<i32>} : memref<4x128xf32, #tpu.memory_space<vmem>>, vector<1x16xf32>,
    %get3A_558 = vector.shape_cast %get3A_557 : vector<1x16xf32> to vector<16xf32>
    %get3A_559 = arith.constant 0 : i32
    %get3A_560 = arith.index_cast %get3A_559 : i32 to index
    %get3A_561 = arith.constant 32 : index
    %get3A_562 = tpu.vector_load %arg14[%get3A_560, %get3A_561] {strides = array<i32>} : memref<4x128xf32, #tpu.memory_space<vmem>>, vector<1x16xf32>,
    %get3A_563 = vector.shape_cast %get3A_562 : vector<1x16xf32> to vector<16xf32>
    %add3A_564 = arith.addf %get3A_558, %get3A_563 : vector<16xf32>
    %add3A_565 = arith.addf %add3A_564, %get3A_521 : vector<16xf32>
    %swap3A_566 = arith.constant 32 : index
    %swap3A_567 = tpu.vector_load %arg15[%swap3A_566] {strides = array<i32>} : memref<512xf32, #tpu.memory_space<vmem>>, vector<16xf32>,
    %swap3A_568 = vector.shape_cast %swap3A_567 : vector<16xf32> to vector<16xf32>
    %swap3A_569 = vector.shape_cast %add3A_565 : vector<16xf32> to vector<16xf32>
    tpu.vector_store %arg15[%swap3A_566], %swap3A_569 {strides = array<i32>} : memref<512xf32, #tpu.memory_space<vmem>>, vector<16xf32>,
    %get3A_570 = arith.constant 0 : i32
    %get3A_571 = arith.index_cast %get3A_570 : i32 to index
    %get3A_572 = arith.constant 48 : index
    %get3A_573 = tpu.vector_load %arg13[%get3A_571, %get3A_572] {strides = array<i32>} : memref<4x128xf32, #tpu.memory_space<vmem>>, vector<1x16xf32>,
    %get3A_574 = vector.shape_cast %get3A_573 : vector<1x16xf32> to vector<16xf32>
    %get3A_575 = arith.constant 0 : i32
    %get3A_576 = arith.index_cast %get3A_575 : i32 to index
    %get3A_577 = arith.constant 48 : index
    %get3A_578 = tpu.vector_load %arg14[%get3A_576, %get3A_577] {strides = array<i32>} : memref<4x128xf32, #tpu.memory_space<vmem>>, vector<1x16xf32>,
    %get3A_579 = vector.shape_cast %get3A_578 : vector<1x16xf32> to vector<16xf32>
    %add3A_580 = arith.addf %get3A_574, %get3A_579 : vector<16xf32>
    %add3A_581 = arith.addf %add3A_580, %get3A_521 : vector<16xf32>
    %swap3A_582 = arith.constant 48 : index
    %swap3A_583 = tpu.vector_load %arg15[%swap3A_582] {strides = array<i32>} : memref<512xf32, #tpu.memory_space<vmem>>, vector<16xf32>,
    %swap3A_584 = vector.shape_cast %swap3A_583 : vector<16xf32> to vector<16xf32>
    %swap3A_585 = vector.shape_cast %add3A_581 : vector<16xf32> to vector<16xf32>
    tpu.vector_store %arg15[%swap3A_582], %swap3A_585 {strides = array<i32>} : memref<512xf32, #tpu.memory_space<vmem>>, vector<16xf32>,
    %get3A_586 = arith.constant 0 : i32
    %get3A_587 = arith.index_cast %get3A_586 : i32 to index
    %get3A_588 = arith.constant 64 : index
    %get3A_589 = tpu.vector_load %arg13[%get3A_587, %get3A_588] {strides = array<i32>} : memref<4x128xf32, #tpu.memory_space<vmem>>, vector<1x16xf32>,
    %get3A_590 = vector.shape_cast %get3A_589 : vector<1x16xf32> to vector<16xf32>
    %get3A_591 = arith.constant 0 : i32
    %get3A_592 = arith.index_cast %get3A_591 : i32 to index
    %get3A_593 = arith.constant 64 : index
    %get3A_594 = tpu.vector_load %arg14[%get3A_592, %get3A_593] {strides = array<i32>} : memref<4x128xf32, #tpu.memory_space<vmem>>, vector<1x16xf32>,
    %get3A_595 = vector.shape_cast %get3A_594 : vector<1x16xf32> to vector<16xf32>
    %add3A_596 = arith.addf %get3A_590, %get3A_595 : vector<16xf32>
    %add3A_597 = arith.addf %add3A_596, %get3A_521 : vector<16xf32>
    %swap3A_598 = arith.constant 64 : index
    %swap3A_599 = tpu.vector_load %arg15[%swap3A_598] {strides = array<i32>} : memref<512xf32, #tpu.memory_space<vmem>>, vector<16xf32>,
    %swap3A_600 = vector.shape_cast %swap3A_599 : vector<16xf32> to vector<16xf32>
    %swap3A_601 = vector.shape_cast %add3A_597 : vector<16xf32> to vector<16xf32>
    tpu.vector_store %arg15[%swap3A_598], %swap3A_601 {strides = array<i32>} : memref<512xf32, #tpu.memory_space<vmem>>, vector<16xf32>,
    %get3A_602 = arith.constant 0 : i32
    %get3A_603 = arith.index_cast %get3A_602 : i32 to index
    %get3A_604 = arith.constant 80 : index
    %get3A_605 = tpu.vector_load %arg13[%get3A_603, %get3A_604] {strides = array<i32>} : memref<4x128xf32, #tpu.memory_space<vmem>>, vector<1x16xf32>,
    %get3A_606 = vector.shape_cast %get3A_605 : vector<1x16xf32> to vector<16xf32>
    %get3A_607 = arith.constant 0 : i32
    %get3A_608 = arith.index_cast %get3A_607 : i32 to index
    %get3A_609 = arith.constant 80 : index
    %get3A_610 = tpu.vector_load %arg14[%get3A_608, %get3A_609] {strides = array<i32>} : memref<4x128xf32, #tpu.memory_space<vmem>>, vector<1x16xf32>,
    %get3A_611 = vector.shape_cast %get3A_610 : vector<1x16xf32> to vector<16xf32>
    %add3A_612 = arith.addf %get3A_606, %get3A_611 : vector<16xf32>
    %add3A_613 = arith.addf %add3A_612, %get3A_521 : vector<16xf32>
    %swap3A_614 = arith.constant 80 : index
    %swap3A_615 = tpu.vector_load %arg15[%swap3A_614] {strides = array<i32>} : memref<512xf32, #tpu.memory_space<vmem>>, vector<16xf32>,
    %swap3A_616 = vector.shape_cast %swap3A_615 : vector<16xf32> to vector<16xf32>
    %swap3A_617 = vector.shape_cast %add3A_613 : vector<16xf32> to vector<16xf32>
    tpu.vector_store %arg15[%swap3A_614], %swap3A_617 {strides = array<i32>} : memref<512xf32, #tpu.memory_space<vmem>>, vector<16xf32>,
    %get3A_618 = arith.constant 0 : i32
    %get3A_619 = arith.index_cast %get3A_618 : i32 to index
    %get3A_620 = arith.constant 96 : index
    %get3A_621 = tpu.vector_load %arg13[%get3A_619, %get3A_620] {strides = array<i32>} : memref<4x128xf32, #tpu.memory_space<vmem>>, vector<1x16xf32>,
    %get3A_622 = vector.shape_cast %get3A_621 : vector<1x16xf32> to vector<16xf32>
    %get3A_623 = arith.constant 0 : i32
    %get3A_624 = arith.index_cast %get3A_623 : i32 to index
    %get3A_625 = arith.constant 96 : index
    %get3A_626 = tpu.vector_load %arg14[%get3A_624, %get3A_625] {strides = array<i32>} : memref<4x128xf32, #tpu.memory_space<vmem>>, vector<1x16xf32>,
    %get3A_627 = vector.shape_cast %get3A_626 : vector<1x16xf32> to vector<16xf32>
    %add3A_628 = arith.addf %get3A_622, %get3A_627 : vector<16xf32>
    %add3A_629 = arith.addf %add3A_628, %get3A_521 : vector<16xf32>
    %swap3A_630 = arith.constant 96 : index
    %swap3A_631 = tpu.vector_load %arg15[%swap3A_630] {strides = array<i32>} : memref<512xf32, #tpu.memory_space<vmem>>, vector<16xf32>,
    %swap3A_632 = vector.shape_cast %swap3A_631 : vector<16xf32> to vector<16xf32>
    %swap3A_633 = vector.shape_cast %add3A_629 : vector<16xf32> to vector<16xf32>
    tpu.vector_store %arg15[%swap3A_630], %swap3A_633 {strides = array<i32>} : memref<512xf32, #tpu.memory_space<vmem>>, vector<16xf32>,
    %get3A_634 = arith.constant 0 : i32
    %get3A_635 = arith.index_cast %get3A_634 : i32 to index
    %get3A_636 = arith.constant 112 : index
    %get3A_637 = tpu.vector_load %arg13[%get3A_635, %get3A_636] {strides = array<i32>} : memref<4x128xf32, #tpu.memory_space<vmem>>, vector<1x16xf32>,
    %get3A_638 = vector.shape_cast %get3A_637 : vector<1x16xf32> to vector<16xf32>
    %get3A_639 = arith.constant 0 : i32
    %get3A_640 = arith.index_cast %get3A_639 : i32 to index
    %get3A_641 = arith.constant 112 : index
    %get3A_642 = tpu.vector_load %arg14[%get3A_640, %get3A_641] {strides = array<i32>} : memref<4x128xf32, #tpu.memory_space<vmem>>, vector<1x16xf32>,
    %get3A_643 = vector.shape_cast %get3A_642 : vector<1x16xf32> to vector<16xf32>
    %add3A_644 = arith.addf %get3A_638, %get3A_643 : vector<16xf32>
    %add3A_645 = arith.addf %add3A_644, %get3A_521 : vector<16xf32>
    %swap3A_646 = arith.constant 112 : index
    %swap3A_647 = tpu.vector_load %arg15[%swap3A_646] {strides = array<i32>} : memref<512xf32, #tpu.memory_space<vmem>>, vector<16xf32>,
    %swap3A_648 = vector.shape_cast %swap3A_647 : vector<16xf32> to vector<16xf32>
    %swap3A_649 = vector.shape_cast %add3A_645 : vector<16xf32> to vector<16xf32>
    tpu.vector_store %arg15[%swap3A_646], %swap3A_649 {strides = array<i32>} : memref<512xf32, #tpu.memory_space<vmem>>, vector<16xf32>,
    %get3A_650 = arith.constant 1 : i32
    %get3A_651 = arith.index_cast %get3A_650 : i32 to index
    %get3A_652 = arith.constant 0 : index
    %get3A_653 = tpu.vector_load %arg13[%get3A_651, %get3A_652] {strides = array<i32>} : memref<4x128xf32, #tpu.memory_space<vmem>>, vector<1x16xf32>,
    %get3A_654 = vector.shape_cast %get3A_653 : vector<1x16xf32> to vector<16xf32>
    %get3A_655 = arith.constant 1 : i32
    %get3A_656 = arith.index_cast %get3A_655 : i32 to index
    %get3A_657 = arith.constant 0 : index
    %get3A_658 = tpu.vector_load %arg14[%get3A_656, %get3A_657] {strides = array<i32>} : memref<4x128xf32, #tpu.memory_space<vmem>>, vector<1x16xf32>,
    %get3A_659 = vector.shape_cast %get3A_658 : vector<1x16xf32> to vector<16xf32>
    %add3A_660 = arith.addf %get3A_654, %get3A_659 : vector<16xf32>
    %add3A_661 = arith.addf %add3A_660, %get3A_521 : vector<16xf32>
    %swap3A_662 = arith.constant 128 : index
    %swap3A_663 = tpu.vector_load %arg15[%swap3A_662] {strides = array<i32>} : memref<512xf32, #tpu.memory_space<vmem>>, vector<16xf32>,
    %swap3A_664 = vector.shape_cast %swap3A_663 : vector<16xf32> to vector<16xf32>
    %swap3A_665 = vector.shape_cast %add3A_661 : vector<16xf32> to vector<16xf32>
    tpu.vector_store %arg15[%swap3A_662], %swap3A_665 {strides = array<i32>} : memref<512xf32, #tpu.memory_space<vmem>>, vector<16xf32>,
    %get3A_666 = arith.constant 1 : i32
    %get3A_667 = arith.index_cast %get3A_666 : i32 to index
    %get3A_668 = arith.constant 16 : index
    %get3A_669 = tpu.vector_load %arg13[%get3A_667, %get3A_668] {strides = array<i32>} : memref<4x128xf32, #tpu.memory_space<vmem>>, vector<1x16xf32>,
    %get3A_670 = vector.shape_cast %get3A_669 : vector<1x16xf32> to vector<16xf32>
    %get3A_671 = arith.constant 1 : i32
    %get3A_672 = arith.index_cast %get3A_671 : i32 to index
    %get3A_673 = arith.constant 16 : index
    %get3A_674 = tpu.vector_load %arg14[%get3A_672, %get3A_673] {strides = array<i32>} : memref<4x128xf32, #tpu.memory_space<vmem>>, vector<1x16xf32>,
    %get3A_675 = vector.shape_cast %get3A_674 : vector<1x16xf32> to vector<16xf32>
    %add3A_676 = arith.addf %get3A_670, %get3A_675 : vector<16xf32>
    %add3A_677 = arith.addf %add3A_676, %get3A_521 : vector<16xf32>
    %swap3A_678 = arith.constant 144 : index
    %swap3A_679 = tpu.vector_load %arg15[%swap3A_678] {strides = array<i32>} : memref<512xf32, #tpu.memory_space<vmem>>, vector<16xf32>,
    %swap3A_680 = vector.shape_cast %swap3A_679 : vector<16xf32> to vector<16xf32>
    %swap3A_681 = vector.shape_cast %add3A_677 : vector<16xf32> to vector<16xf32>
    tpu.vector_store %arg15[%swap3A_678], %swap3A_681 {strides = array<i32>} : memref<512xf32, #tpu.memory_space<vmem>>, vector<16xf32>,
    %get3A_682 = arith.constant 1 : i32
    %get3A_683 = arith.index_cast %get3A_682 : i32 to index
    %get3A_684 = arith.constant 32 : index
    %get3A_685 = tpu.vector_load %arg13[%get3A_683, %get3A_684] {strides = array<i32>} : memref<4x128xf32, #tpu.memory_space<vmem>>, vector<1x16xf32>,
    %get3A_686 = vector.shape_cast %get3A_685 : vector<1x16xf32> to vector<16xf32>
    %get3A_687 = arith.constant 1 : i32
    %get3A_688 = arith.index_cast %get3A_687 : i32 to index
    %get3A_689 = arith.constant 32 : index
    %get3A_690 = tpu.vector_load %arg14[%get3A_688, %get3A_689] {strides = array<i32>} : memref<4x128xf32, #tpu.memory_space<vmem>>, vector<1x16xf32>,
    %get3A_691 = vector.shape_cast %get3A_690 : vector<1x16xf32> to vector<16xf32>
    %add3A_692 = arith.addf %get3A_686, %get3A_691 : vector<16xf32>
    %add3A_693 = arith.addf %add3A_692, %get3A_521 : vector<16xf32>
    %swap3A_694 = arith.constant 160 : index
    %swap3A_695 = tpu.vector_load %arg15[%swap3A_694] {strides = array<i32>} : memref<512xf32, #tpu.memory_space<vmem>>, vector<16xf32>,
    %swap3A_696 = vector.shape_cast %swap3A_695 : vector<16xf32> to vector<16xf32>
    %swap3A_697 = vector.shape_cast %add3A_693 : vector<16xf32> to vector<16xf32>
    tpu.vector_store %arg15[%swap3A_694], %swap3A_697 {strides = array<i32>} : memref<512xf32, #tpu.memory_space<vmem>>, vector<16xf32>,
    %get3A_698 = arith.constant 1 : i32
    %get3A_699 = arith.index_cast %get3A_698 : i32 to index
    %get3A_700 = arith.constant 48 : index
    %get3A_701 = tpu.vector_load %arg13[%get3A_699, %get3A_700] {strides = array<i32>} : memref<4x128xf32, #tpu.memory_space<vmem>>, vector<1x16xf32>,
    %get3A_702 = vector.shape_cast %get3A_701 : vector<1x16xf32> to vector<16xf32>
    %get3A_703 = arith.constant 1 : i32
    %get3A_704 = arith.index_cast %get3A_703 : i32 to index
    %get3A_705 = arith.constant 48 : index
    %get3A_706 = tpu.vector_load %arg14[%get3A_704, %get3A_705] {strides = array<i32>} : memref<4x128xf32, #tpu.memory_space<vmem>>, vector<1x16xf32>,
    %get3A_707 = vector.shape_cast %get3A_706 : vector<1x16xf32> to vector<16xf32>
    %add3A_708 = arith.addf %get3A_702, %get3A_707 : vector<16xf32>
    %add3A_709 = arith.addf %add3A_708, %get3A_521 : vector<16xf32>
    %swap3A_710 = arith.constant 176 : index
    %swap3A_711 = tpu.vector_load %arg15[%swap3A_710] {strides = array<i32>} : memref<512xf32, #tpu.memory_space<vmem>>, vector<16xf32>,
    %swap3A_712 = vector.shape_cast %swap3A_711 : vector<16xf32> to vector<16xf32>
    %swap3A_713 = vector.shape_cast %add3A_709 : vector<16xf32> to vector<16xf32>
    tpu.vector_store %arg15[%swap3A_710], %swap3A_713 {strides = array<i32>} : memref<512xf32, #tpu.memory_space<vmem>>, vector<16xf32>,
    %get3A_714 = arith.constant 1 : i32
    %get3A_715 = arith.index_cast %get3A_714 : i32 to index
    %get3A_716 = arith.constant 64 : index
    %get3A_717 = tpu.vector_load %arg13[%get3A_715, %get3A_716] {strides = array<i32>} : memref<4x128xf32, #tpu.memory_space<vmem>>, vector<1x16xf32>,
    %get3A_718 = vector.shape_cast %get3A_717 : vector<1x16xf32> to vector<16xf32>
    %get3A_719 = arith.constant 1 : i32
    %get3A_720 = arith.index_cast %get3A_719 : i32 to index
    %get3A_721 = arith.constant 64 : index
    %get3A_722 = tpu.vector_load %arg14[%get3A_720, %get3A_721] {strides = array<i32>} : memref<4x128xf32, #tpu.memory_space<vmem>>, vector<1x16xf32>,
    %get3A_723 = vector.shape_cast %get3A_722 : vector<1x16xf32> to vector<16xf32>
    %add3A_724 = arith.addf %get3A_718, %get3A_723 : vector<16xf32>
    %add3A_725 = arith.addf %add3A_724, %get3A_521 : vector<16xf32>
    %swap3A_726 = arith.constant 192 : index
    %swap3A_727 = tpu.vector_load %arg15[%swap3A_726] {strides = array<i32>} : memref<512xf32, #tpu.memory_space<vmem>>, vector<16xf32>,
    %swap3A_728 = vector.shape_cast %swap3A_727 : vector<16xf32> to vector<16xf32>
    %swap3A_729 = vector.shape_cast %add3A_725 : vector<16xf32> to vector<16xf32>
    tpu.vector_store %arg15[%swap3A_726], %swap3A_729 {strides = array<i32>} : memref<512xf32, #tpu.memory_space<vmem>>, vector<16xf32>,
    %get3A_730 = arith.constant 1 : i32
    %get3A_731 = arith.index_cast %get3A_730 : i32 to index
    %get3A_732 = arith.constant 80 : index
    %get3A_733 = tpu.vector_load %arg13[%get3A_731, %get3A_732] {strides = array<i32>} : memref<4x128xf32, #tpu.memory_space<vmem>>, vector<1x16xf32>,
    %get3A_734 = vector.shape_cast %get3A_733 : vector<1x16xf32> to vector<16xf32>
    %get3A_735 = arith.constant 1 : i32
    %get3A_736 = arith.index_cast %get3A_735 : i32 to index
    %get3A_737 = arith.constant 80 : index
    %get3A_738 = tpu.vector_load %arg14[%get3A_736, %get3A_737] {strides = array<i32>} : memref<4x128xf32, #tpu.memory_space<vmem>>, vector<1x16xf32>,
    %get3A_739 = vector.shape_cast %get3A_738 : vector<1x16xf32> to vector<16xf32>
    %add3A_740 = arith.addf %get3A_734, %get3A_739 : vector<16xf32>
    %add3A_741 = arith.addf %add3A_740, %get3A_521 : vector<16xf32>
    %swap3A_742 = arith.constant 208 : index
    %swap3A_743 = tpu.vector_load %arg15[%swap3A_742] {strides = array<i32>} : memref<512xf32, #tpu.memory_space<vmem>>, vector<16xf32>,
    %swap3A_744 = vector.shape_cast %swap3A_743 : vector<16xf32> to vector<16xf32>
    %swap3A_745 = vector.shape_cast %add3A_741 : vector<16xf32> to vector<16xf32>
    tpu.vector_store %arg15[%swap3A_742], %swap3A_745 {strides = array<i32>} : memref<512xf32, #tpu.memory_space<vmem>>, vector<16xf32>,
    %get3A_746 = arith.constant 1 : i32
    %get3A_747 = arith.index_cast %get3A_746 : i32 to index
    %get3A_748 = arith.constant 96 : index
    %get3A_749 = tpu.vector_load %arg13[%get3A_747, %get3A_748] {strides = array<i32>} : memref<4x128xf32, #tpu.memory_space<vmem>>, vector<1x16xf32>,
    %get3A_750 = vector.shape_cast %get3A_749 : vector<1x16xf32> to vector<16xf32>
    %get3A_751 = arith.constant 1 : i32
    %get3A_752 = arith.index_cast %get3A_751 : i32 to index
    %get3A_753 = arith.constant 96 : index
    %get3A_754 = tpu.vector_load %arg14[%get3A_752, %get3A_753] {strides = array<i32>} : memref<4x128xf32, #tpu.memory_space<vmem>>, vector<1x16xf32>,
    %get3A_755 = vector.shape_cast %get3A_754 : vector<1x16xf32> to vector<16xf32>
    %add3A_756 = arith.addf %get3A_750, %get3A_755 : vector<16xf32>
    %add3A_757 = arith.addf %add3A_756, %get3A_521 : vector<16xf32>
    %swap3A_758 = arith.constant 224 : index
    %swap3A_759 = tpu.vector_load %arg15[%swap3A_758] {strides = array<i32>} : memref<512xf32, #tpu.memory_space<vmem>>, vector<16xf32>,
    %swap3A_760 = vector.shape_cast %swap3A_759 : vector<16xf32> to vector<16xf32>
    %swap3A_761 = vector.shape_cast %add3A_757 : vector<16xf32> to vector<16xf32>
    tpu.vector_store %arg15[%swap3A_758], %swap3A_761 {strides = array<i32>} : memref<512xf32, #tpu.memory_space<vmem>>, vector<16xf32>,
    %get3A_762 = arith.constant 1 : i32
    %get3A_763 = arith.index_cast %get3A_762 : i32 to index
    %get3A_764 = arith.constant 112 : index
    %get3A_765 = tpu.vector_load %arg13[%get3A_763, %get3A_764] {strides = array<i32>} : memref<4x128xf32, #tpu.memory_space<vmem>>, vector<1x16xf32>,
    %get3A_766 = vector.shape_cast %get3A_765 : vector<1x16xf32> to vector<16xf32>
    %get3A_767 = arith.constant 1 : i32
    %get3A_768 = arith.index_cast %get3A_767 : i32 to index
    %get3A_769 = arith.constant 112 : index
    %get3A_770 = tpu.vector_load %arg14[%get3A_768, %get3A_769] {strides = array<i32>} : memref<4x128xf32, #tpu.memory_space<vmem>>, vector<1x16xf32>,
    %get3A_771 = vector.shape_cast %get3A_770 : vector<1x16xf32> to vector<16xf32>
    %add3A_772 = arith.addf %get3A_766, %get3A_771 : vector<16xf32>
    %add3A_773 = arith.addf %add3A_772, %get3A_521 : vector<16xf32>
    %swap3A_774 = arith.constant 240 : index
    %swap3A_775 = tpu.vector_load %arg15[%swap3A_774] {strides = array<i32>} : memref<512xf32, #tpu.memory_space<vmem>>, vector<16xf32>,
    %swap3A_776 = vector.shape_cast %swap3A_775 : vector<16xf32> to vector<16xf32>
    %swap3A_777 = vector.shape_cast %add3A_773 : vector<16xf32> to vector<16xf32>
    tpu.vector_store %arg15[%swap3A_774], %swap3A_777 {strides = array<i32>} : memref<512xf32, #tpu.memory_space<vmem>>, vector<16xf32>,
    %get3A_778 = arith.constant 2 : i32
    %get3A_779 = arith.index_cast %get3A_778 : i32 to index
    %get3A_780 = arith.constant 0 : index
    %get3A_781 = tpu.vector_load %arg13[%get3A_779, %get3A_780] {strides = array<i32>} : memref<4x128xf32, #tpu.memory_space<vmem>>, vector<1x16xf32>,
    %get3A_782 = vector.shape_cast %get3A_781 : vector<1x16xf32> to vector<16xf32>
    %get3A_783 = arith.constant 2 : i32
    %get3A_784 = arith.index_cast %get3A_783 : i32 to index
    %get3A_785 = arith.constant 0 : index
    %get3A_786 = tpu.vector_load %arg14[%get3A_784, %get3A_785] {strides = array<i32>} : memref<4x128xf32, #tpu.memory_space<vmem>>, vector<1x16xf32>,
    %get3A_787 = vector.shape_cast %get3A_786 : vector<1x16xf32> to vector<16xf32>
    %add3A_788 = arith.addf %get3A_782, %get3A_787 : vector<16xf32>
    %add3A_789 = arith.addf %add3A_788, %get3A_521 : vector<16xf32>
    %swap3A_790 = arith.constant 256 : index
    %swap3A_791 = tpu.vector_load %arg15[%swap3A_790] {strides = array<i32>} : memref<512xf32, #tpu.memory_space<vmem>>, vector<16xf32>,
    %swap3A_792 = vector.shape_cast %swap3A_791 : vector<16xf32> to vector<16xf32>
    %swap3A_793 = vector.shape_cast %add3A_789 : vector<16xf32> to vector<16xf32>
    tpu.vector_store %arg15[%swap3A_790], %swap3A_793 {strides = array<i32>} : memref<512xf32, #tpu.memory_space<vmem>>, vector<16xf32>,
    %get3A_794 = arith.constant 2 : i32
    %get3A_795 = arith.index_cast %get3A_794 : i32 to index
    %get3A_796 = arith.constant 16 : index
    %get3A_797 = tpu.vector_load %arg13[%get3A_795, %get3A_796] {strides = array<i32>} : memref<4x128xf32, #tpu.memory_space<vmem>>, vector<1x16xf32>,
    %get3A_798 = vector.shape_cast %get3A_797 : vector<1x16xf32> to vector<16xf32>
    %get3A_799 = arith.constant 2 : i32
    %get3A_800 = arith.index_cast %get3A_799 : i32 to index
    %get3A_801 = arith.constant 16 : index
    %get3A_802 = tpu.vector_load %arg14[%get3A_800, %get3A_801] {strides = array<i32>} : memref<4x128xf32, #tpu.memory_space<vmem>>, vector<1x16xf32>,
    %get3A_803 = vector.shape_cast %get3A_802 : vector<1x16xf32> to vector<16xf32>
    %add3A_804 = arith.addf %get3A_798, %get3A_803 : vector<16xf32>
    %add3A_805 = arith.addf %add3A_804, %get3A_521 : vector<16xf32>
    %swap3A_806 = arith.constant 272 : index
    %swap3A_807 = tpu.vector_load %arg15[%swap3A_806] {strides = array<i32>} : memref<512xf32, #tpu.memory_space<vmem>>, vector<16xf32>,
    %swap3A_808 = vector.shape_cast %swap3A_807 : vector<16xf32> to vector<16xf32>
    %swap3A_809 = vector.shape_cast %add3A_805 : vector<16xf32> to vector<16xf32>
    tpu.vector_store %arg15[%swap3A_806], %swap3A_809 {strides = array<i32>} : memref<512xf32, #tpu.memory_space<vmem>>, vector<16xf32>,
    %get3A_810 = arith.constant 2 : i32
    %get3A_811 = arith.index_cast %get3A_810 : i32 to index
    %get3A_812 = arith.constant 32 : index
    %get3A_813 = tpu.vector_load %arg13[%get3A_811, %get3A_812] {strides = array<i32>} : memref<4x128xf32, #tpu.memory_space<vmem>>, vector<1x16xf32>,
    %get3A_814 = vector.shape_cast %get3A_813 : vector<1x16xf32> to vector<16xf32>
    %get3A_815 = arith.constant 2 : i32
    %get3A_816 = arith.index_cast %get3A_815 : i32 to index
    %get3A_817 = arith.constant 32 : index
    %get3A_818 = tpu.vector_load %arg14[%get3A_816, %get3A_817] {strides = array<i32>} : memref<4x128xf32, #tpu.memory_space<vmem>>, vector<1x16xf32>,
    %get3A_819 = vector.shape_cast %get3A_818 : vector<1x16xf32> to vector<16xf32>
    %add3A_820 = arith.addf %get3A_814, %get3A_819 : vector<16xf32>
    %add3A_821 = arith.addf %add3A_820, %get3A_521 : vector<16xf32>
    %swap3A_822 = arith.constant 288 : index
    %swap3A_823 = tpu.vector_load %arg15[%swap3A_822] {strides = array<i32>} : memref<512xf32, #tpu.memory_space<vmem>>, vector<16xf32>,
    %swap3A_824 = vector.shape_cast %swap3A_823 : vector<16xf32> to vector<16xf32>
    %swap3A_825 = vector.shape_cast %add3A_821 : vector<16xf32> to vector<16xf32>
    tpu.vector_store %arg15[%swap3A_822], %swap3A_825 {strides = array<i32>} : memref<512xf32, #tpu.memory_space<vmem>>, vector<16xf32>,
    %get3A_826 = arith.constant 2 : i32
    %get3A_827 = arith.index_cast %get3A_826 : i32 to index
    %get3A_828 = arith.constant 48 : index
    %get3A_829 = tpu.vector_load %arg13[%get3A_827, %get3A_828] {strides = array<i32>} : memref<4x128xf32, #tpu.memory_space<vmem>>, vector<1x16xf32>,
    %get3A_830 = vector.shape_cast %get3A_829 : vector<1x16xf32> to vector<16xf32>
    %get3A_831 = arith.constant 2 : i32
    %get3A_832 = arith.index_cast %get3A_831 : i32 to index
    %get3A_833 = arith.constant 48 : index
    %get3A_834 = tpu.vector_load %arg14[%get3A_832, %get3A_833] {strides = array<i32>} : memref<4x128xf32, #tpu.memory_space<vmem>>, vector<1x16xf32>,
    %get3A_835 = vector.shape_cast %get3A_834 : vector<1x16xf32> to vector<16xf32>
    %add3A_836 = arith.addf %get3A_830, %get3A_835 : vector<16xf32>
    %add3A_837 = arith.addf %add3A_836, %get3A_521 : vector<16xf32>
    %swap3A_838 = arith.constant 304 : index
    %swap3A_839 = tpu.vector_load %arg15[%swap3A_838] {strides = array<i32>} : memref<512xf32, #tpu.memory_space<vmem>>, vector<16xf32>,
    %swap3A_840 = vector.shape_cast %swap3A_839 : vector<16xf32> to vector<16xf32>
    %swap3A_841 = vector.shape_cast %add3A_837 : vector<16xf32> to vector<16xf32>
    tpu.vector_store %arg15[%swap3A_838], %swap3A_841 {strides = array<i32>} : memref<512xf32, #tpu.memory_space<vmem>>, vector<16xf32>,
    %get3A_842 = arith.constant 2 : i32
    %get3A_843 = arith.index_cast %get3A_842 : i32 to index
    %get3A_844 = arith.constant 64 : index
    %get3A_845 = tpu.vector_load %arg13[%get3A_843, %get3A_844] {strides = array<i32>} : memref<4x128xf32, #tpu.memory_space<vmem>>, vector<1x16xf32>,
    %get3A_846 = vector.shape_cast %get3A_845 : vector<1x16xf32> to vector<16xf32>
    %get3A_847 = arith.constant 2 : i32
    %get3A_848 = arith.index_cast %get3A_847 : i32 to index
    %get3A_849 = arith.constant 64 : index
    %get3A_850 = tpu.vector_load %arg14[%get3A_848, %get3A_849] {strides = array<i32>} : memref<4x128xf32, #tpu.memory_space<vmem>>, vector<1x16xf32>,
    %get3A_851 = vector.shape_cast %get3A_850 : vector<1x16xf32> to vector<16xf32>
    %add3A_852 = arith.addf %get3A_846, %get3A_851 : vector<16xf32>
    %add3A_853 = arith.addf %add3A_852, %get3A_521 : vector<16xf32>
    %swap3A_854 = arith.constant 320 : index
    %swap3A_855 = tpu.vector_load %arg15[%swap3A_854] {strides = array<i32>} : memref<512xf32, #tpu.memory_space<vmem>>, vector<16xf32>,
    %swap3A_856 = vector.shape_cast %swap3A_855 : vector<16xf32> to vector<16xf32>
    %swap3A_857 = vector.shape_cast %add3A_853 : vector<16xf32> to vector<16xf32>
    tpu.vector_store %arg15[%swap3A_854], %swap3A_857 {strides = array<i32>} : memref<512xf32, #tpu.memory_space<vmem>>, vector<16xf32>,
    %get3A_858 = arith.constant 2 : i32
    %get3A_859 = arith.index_cast %get3A_858 : i32 to index
    %get3A_860 = arith.constant 80 : index
    %get3A_861 = tpu.vector_load %arg13[%get3A_859, %get3A_860] {strides = array<i32>} : memref<4x128xf32, #tpu.memory_space<vmem>>, vector<1x16xf32>,
    %get3A_862 = vector.shape_cast %get3A_861 : vector<1x16xf32> to vector<16xf32>
    %get3A_863 = arith.constant 2 : i32
    %get3A_864 = arith.index_cast %get3A_863 : i32 to index
    %get3A_865 = arith.constant 80 : index
    %get3A_866 = tpu.vector_load %arg14[%get3A_864, %get3A_865] {strides = array<i32>} : memref<4x128xf32, #tpu.memory_space<vmem>>, vector<1x16xf32>,
    %get3A_867 = vector.shape_cast %get3A_866 : vector<1x16xf32> to vector<16xf32>
    %add3A_868 = arith.addf %get3A_862, %get3A_867 : vector<16xf32>
    %add3A_869 = arith.addf %add3A_868, %get3A_521 : vector<16xf32>
    %swap3A_870 = arith.constant 336 : index
    %swap3A_871 = tpu.vector_load %arg15[%swap3A_870] {strides = array<i32>} : memref<512xf32, #tpu.memory_space<vmem>>, vector<16xf32>,
    %swap3A_872 = vector.shape_cast %swap3A_871 : vector<16xf32> to vector<16xf32>
    %swap3A_873 = vector.shape_cast %add3A_869 : vector<16xf32> to vector<16xf32>
    tpu.vector_store %arg15[%swap3A_870], %swap3A_873 {strides = array<i32>} : memref<512xf32, #tpu.memory_space<vmem>>, vector<16xf32>,
    %get3A_874 = arith.constant 2 : i32
    %get3A_875 = arith.index_cast %get3A_874 : i32 to index
    %get3A_876 = arith.constant 96 : index
    %get3A_877 = tpu.vector_load %arg13[%get3A_875, %get3A_876] {strides = array<i32>} : memref<4x128xf32, #tpu.memory_space<vmem>>, vector<1x16xf32>,
    %get3A_878 = vector.shape_cast %get3A_877 : vector<1x16xf32> to vector<16xf32>
    %get3A_879 = arith.constant 2 : i32
    %get3A_880 = arith.index_cast %get3A_879 : i32 to index
    %get3A_881 = arith.constant 96 : index
    %get3A_882 = tpu.vector_load %arg14[%get3A_880, %get3A_881] {strides = array<i32>} : memref<4x128xf32, #tpu.memory_space<vmem>>, vector<1x16xf32>,
    %get3A_883 = vector.shape_cast %get3A_882 : vector<1x16xf32> to vector<16xf32>
    %add3A_884 = arith.addf %get3A_878, %get3A_883 : vector<16xf32>
    %add3A_885 = arith.addf %add3A_884, %get3A_521 : vector<16xf32>
    %swap3A_886 = arith.constant 352 : index
    %swap3A_887 = tpu.vector_load %arg15[%swap3A_886] {strides = array<i32>} : memref<512xf32, #tpu.memory_space<vmem>>, vector<16xf32>,
    %swap3A_888 = vector.shape_cast %swap3A_887 : vector<16xf32> to vector<16xf32>
    %swap3A_889 = vector.shape_cast %add3A_885 : vector<16xf32> to vector<16xf32>
    tpu.vector_store %arg15[%swap3A_886], %swap3A_889 {strides = array<i32>} : memref<512xf32, #tpu.memory_space<vmem>>, vector<16xf32>,
    %get3A_890 = arith.constant 2 : i32
    %get3A_891 = arith.index_cast %get3A_890 : i32 to index
    %get3A_892 = arith.constant 112 : index
    %get3A_893 = tpu.vector_load %arg13[%get3A_891, %get3A_892] {strides = array<i32>} : memref<4x128xf32, #tpu.memory_space<vmem>>, vector<1x16xf32>,
    %get3A_894 = vector.shape_cast %get3A_893 : vector<1x16xf32> to vector<16xf32>
    %get3A_895 = arith.constant 2 : i32
    %get3A_896 = arith.index_cast %get3A_895 : i32 to index
    %get3A_897 = arith.constant 112 : index
    %get3A_898 = tpu.vector_load %arg14[%get3A_896, %get3A_897] {strides = array<i32>} : memref<4x128xf32, #tpu.memory_space<vmem>>, vector<1x16xf32>,
    %get3A_899 = vector.shape_cast %get3A_898 : vector<1x16xf32> to vector<16xf32>
    %add3A_900 = arith.addf %get3A_894, %get3A_899 : vector<16xf32>
    %add3A_901 = arith.addf %add3A_900, %get3A_521 : vector<16xf32>
    %swap3A_902 = arith.constant 368 : index
    %swap3A_903 = tpu.vector_load %arg15[%swap3A_902] {strides = array<i32>} : memref<512xf32, #tpu.memory_space<vmem>>, vector<16xf32>,
    %swap3A_904 = vector.shape_cast %swap3A_903 : vector<16xf32> to vector<16xf32>
    %swap3A_905 = vector.shape_cast %add3A_901 : vector<16xf32> to vector<16xf32>
    tpu.vector_store %arg15[%swap3A_902], %swap3A_905 {strides = array<i32>} : memref<512xf32, #tpu.memory_space<vmem>>, vector<16xf32>,
    %get3A_906 = arith.constant 3 : i32
    %get3A_907 = arith.index_cast %get3A_906 : i32 to index
    %get3A_908 = arith.constant 0 : index
    %get3A_909 = tpu.vector_load %arg13[%get3A_907, %get3A_908] {strides = array<i32>} : memref<4x128xf32, #tpu.memory_space<vmem>>, vector<1x16xf32>,
    %get3A_910 = vector.shape_cast %get3A_909 : vector<1x16xf32> to vector<16xf32>
    %get3A_911 = arith.constant 3 : i32
    %get3A_912 = arith.index_cast %get3A_911 : i32 to index
    %get3A_913 = arith.constant 0 : index
    %get3A_914 = tpu.vector_load %arg14[%get3A_912, %get3A_913] {strides = array<i32>} : memref<4x128xf32, #tpu.memory_space<vmem>>, vector<1x16xf32>,
    %get3A_915 = vector.shape_cast %get3A_914 : vector<1x16xf32> to vector<16xf32>
    %add3A_916 = arith.addf %get3A_910, %get3A_915 : vector<16xf32>
    %add3A_917 = arith.addf %add3A_916, %get3A_521 : vector<16xf32>
    %swap3A_918 = arith.constant 384 : index
    %swap3A_919 = tpu.vector_load %arg15[%swap3A_918] {strides = array<i32>} : memref<512xf32, #tpu.memory_space<vmem>>, vector<16xf32>,
    %swap3A_920 = vector.shape_cast %swap3A_919 : vector<16xf32> to vector<16xf32>
    %swap3A_921 = vector.shape_cast %add3A_917 : vector<16xf32> to vector<16xf32>
    tpu.vector_store %arg15[%swap3A_918], %swap3A_921 {strides = array<i32>} : memref<512xf32, #tpu.memory_space<vmem>>, vector<16xf32>,
    %get3A_922 = arith.constant 3 : i32
    %get3A_923 = arith.index_cast %get3A_922 : i32 to index
    %get3A_924 = arith.constant 16 : index
    %get3A_925 = tpu.vector_load %arg13[%get3A_923, %get3A_924] {strides = array<i32>} : memref<4x128xf32, #tpu.memory_space<vmem>>, vector<1x16xf32>,
    %get3A_926 = vector.shape_cast %get3A_925 : vector<1x16xf32> to vector<16xf32>
    %get3A_927 = arith.constant 3 : i32
    %get3A_928 = arith.index_cast %get3A_927 : i32 to index
    %get3A_929 = arith.constant 16 : index
    %get3A_930 = tpu.vector_load %arg14[%get3A_928, %get3A_929] {strides = array<i32>} : memref<4x128xf32, #tpu.memory_space<vmem>>, vector<1x16xf32>,
    %get3A_931 = vector.shape_cast %get3A_930 : vector<1x16xf32> to vector<16xf32>
    %add3A_932 = arith.addf %get3A_926, %get3A_931 : vector<16xf32>
    %add3A_933 = arith.addf %add3A_932, %get3A_521 : vector<16xf32>
    %swap3A_934 = arith.constant 400 : index
    %swap3A_935 = tpu.vector_load %arg15[%swap3A_934] {strides = array<i32>} : memref<512xf32, #tpu.memory_space<vmem>>, vector<16xf32>,
    %swap3A_936 = vector.shape_cast %swap3A_935 : vector<16xf32> to vector<16xf32>
    %swap3A_937 = vector.shape_cast %add3A_933 : vector<16xf32> to vector<16xf32>
    tpu.vector_store %arg15[%swap3A_934], %swap3A_937 {strides = array<i32>} : memref<512xf32, #tpu.memory_space<vmem>>, vector<16xf32>,
    %get3A_938 = arith.constant 3 : i32
    %get3A_939 = arith.index_cast %get3A_938 : i32 to index
    %get3A_940 = arith.constant 32 : index
    %get3A_941 = tpu.vector_load %arg13[%get3A_939, %get3A_940] {strides = array<i32>} : memref<4x128xf32, #tpu.memory_space<vmem>>, vector<1x16xf32>,
    %get3A_942 = vector.shape_cast %get3A_941 : vector<1x16xf32> to vector<16xf32>
    %get3A_943 = arith.constant 3 : i32
    %get3A_944 = arith.index_cast %get3A_943 : i32 to index
    %get3A_945 = arith.constant 32 : index
    %get3A_946 = tpu.vector_load %arg14[%get3A_944, %get3A_945] {strides = array<i32>} : memref<4x128xf32, #tpu.memory_space<vmem>>, vector<1x16xf32>,
    %get3A_947 = vector.shape_cast %get3A_946 : vector<1x16xf32> to vector<16xf32>
    %add3A_948 = arith.addf %get3A_942, %get3A_947 : vector<16xf32>
    %add3A_949 = arith.addf %add3A_948, %get3A_521 : vector<16xf32>
    %swap3A_950 = arith.constant 416 : index
    %swap3A_951 = tpu.vector_load %arg15[%swap3A_950] {strides = array<i32>} : memref<512xf32, #tpu.memory_space<vmem>>, vector<16xf32>,
    %swap3A_952 = vector.shape_cast %swap3A_951 : vector<16xf32> to vector<16xf32>
    %swap3A_953 = vector.shape_cast %add3A_949 : vector<16xf32> to vector<16xf32>
    tpu.vector_store %arg15[%swap3A_950], %swap3A_953 {strides = array<i32>} : memref<512xf32, #tpu.memory_space<vmem>>, vector<16xf32>,
    %get3A_954 = arith.constant 3 : i32
    %get3A_955 = arith.index_cast %get3A_954 : i32 to index
    %get3A_956 = arith.constant 48 : index
    %get3A_957 = tpu.vector_load %arg13[%get3A_955, %get3A_956] {strides = array<i32>} : memref<4x128xf32, #tpu.memory_space<vmem>>, vector<1x16xf32>,
    %get3A_958 = vector.shape_cast %get3A_957 : vector<1x16xf32> to vector<16xf32>
    %get3A_959 = arith.constant 3 : i32
    %get3A_960 = arith.index_cast %get3A_959 : i32 to index
    %get3A_961 = arith.constant 48 : index
    %get3A_962 = tpu.vector_load %arg14[%get3A_960, %get3A_961] {strides = array<i32>} : memref<4x128xf32, #tpu.memory_space<vmem>>, vector<1x16xf32>,
    %get3A_963 = vector.shape_cast %get3A_962 : vector<1x16xf32> to vector<16xf32>
    %add3A_964 = arith.addf %get3A_958, %get3A_963 : vector<16xf32>
    %add3A_965 = arith.addf %add3A_964, %get3A_521 : vector<16xf32>
    %swap3A_966 = arith.constant 432 : index
    %swap3A_967 = tpu.vector_load %arg15[%swap3A_966] {strides = array<i32>} : memref<512xf32, #tpu.memory_space<vmem>>, vector<16xf32>,
    %swap3A_968 = vector.shape_cast %swap3A_967 : vector<16xf32> to vector<16xf32>
    %swap3A_969 = vector.shape_cast %add3A_965 : vector<16xf32> to vector<16xf32>
    tpu.vector_store %arg15[%swap3A_966], %swap3A_969 {strides = array<i32>} : memref<512xf32, #tpu.memory_space<vmem>>, vector<16xf32>,
    %get3A_970 = arith.constant 3 : i32
    %get3A_971 = arith.index_cast %get3A_970 : i32 to index
    %get3A_972 = arith.constant 64 : index
    %get3A_973 = tpu.vector_load %arg13[%get3A_971, %get3A_972] {strides = array<i32>} : memref<4x128xf32, #tpu.memory_space<vmem>>, vector<1x16xf32>,
    %get3A_974 = vector.shape_cast %get3A_973 : vector<1x16xf32> to vector<16xf32>
    %get3A_975 = arith.constant 3 : i32
    %get3A_976 = arith.index_cast %get3A_975 : i32 to index
    %get3A_977 = arith.constant 64 : index
    %get3A_978 = tpu.vector_load %arg14[%get3A_976, %get3A_977] {strides = array<i32>} : memref<4x128xf32, #tpu.memory_space<vmem>>, vector<1x16xf32>,
    %get3A_979 = vector.shape_cast %get3A_978 : vector<1x16xf32> to vector<16xf32>
    %add3A_980 = arith.addf %get3A_974, %get3A_979 : vector<16xf32>
    %add3A_981 = arith.addf %add3A_980, %get3A_521 : vector<16xf32>
    %swap3A_982 = arith.constant 448 : index
    %swap3A_983 = tpu.vector_load %arg15[%swap3A_982] {strides = array<i32>} : memref<512xf32, #tpu.memory_space<vmem>>, vector<16xf32>,
    %swap3A_984 = vector.shape_cast %swap3A_983 : vector<16xf32> to vector<16xf32>
    %swap3A_985 = vector.shape_cast %add3A_981 : vector<16xf32> to vector<16xf32>
    tpu.vector_store %arg15[%swap3A_982], %swap3A_985 {strides = array<i32>} : memref<512xf32, #tpu.memory_space<vmem>>, vector<16xf32>,
    %get3A_986 = arith.constant 3 : i32
    %get3A_987 = arith.index_cast %get3A_986 : i32 to index
    %get3A_988 = arith.constant 80 : index
    %get3A_989 = tpu.vector_load %arg13[%get3A_987, %get3A_988] {strides = array<i32>} : memref<4x128xf32, #tpu.memory_space<vmem>>, vector<1x16xf32>,
    %get3A_990 = vector.shape_cast %get3A_989 : vector<1x16xf32> to vector<16xf32>
    %get3A_991 = arith.constant 3 : i32
    %get3A_992 = arith.index_cast %get3A_991 : i32 to index
    %get3A_993 = arith.constant 80 : index
    %get3A_994 = tpu.vector_load %arg14[%get3A_992, %get3A_993] {strides = array<i32>} : memref<4x128xf32, #tpu.memory_space<vmem>>, vector<1x16xf32>,
    %get3A_995 = vector.shape_cast %get3A_994 : vector<1x16xf32> to vector<16xf32>
    %add3A_996 = arith.addf %get3A_990, %get3A_995 : vector<16xf32>
    %add3A_997 = arith.addf %add3A_996, %get3A_521 : vector<16xf32>
    %swap3A_998 = arith.constant 464 : index
    %swap3A_999 = tpu.vector_load %arg15[%swap3A_998] {strides = array<i32>} : memref<512xf32, #tpu.memory_space<vmem>>, vector<16xf32>,
    %swap3A_1000 = vector.shape_cast %swap3A_999 : vector<16xf32> to vector<16xf32>
    %swap3A_1001 = vector.shape_cast %add3A_997 : vector<16xf32> to vector<16xf32>
    tpu.vector_store %arg15[%swap3A_998], %swap3A_1001 {strides = array<i32>} : memref<512xf32, #tpu.memory_space<vmem>>, vector<16xf32>,
    %get3A_1002 = arith.constant 3 : i32
    %get3A_1003 = arith.index_cast %get3A_1002 : i32 to index
    %get3A_1004 = arith.constant 96 : index
    %get3A_1005 = tpu.vector_load %arg13[%get3A_1003, %get3A_1004] {strides = array<i32>} : memref<4x128xf32, #tpu.memory_space<vmem>>, vector<1x16xf32>,
    %get3A_1006 = vector.shape_cast %get3A_1005 : vector<1x16xf32> to vector<16xf32>
    %get3A_1007 = arith.constant 3 : i32
    %get3A_1008 = arith.index_cast %get3A_1007 : i32 to index
    %get3A_1009 = arith.constant 96 : index
    %get3A_1010 = tpu.vector_load %arg14[%get3A_1008, %get3A_1009] {strides = array<i32>} : memref<4x128xf32, #tpu.memory_space<vmem>>, vector<1x16xf32>,
    %get3A_1011 = vector.shape_cast %get3A_1010 : vector<1x16xf32> to vector<16xf32>
    %add3A_1012 = arith.addf %get3A_1006, %get3A_1011 : vector<16xf32>
    %add3A_1013 = arith.addf %add3A_1012, %get3A_521 : vector<16xf32>
    %swap3A_1014 = arith.constant 480 : index
    %swap3A_1015 = tpu.vector_load %arg15[%swap3A_1014] {strides = array<i32>} : memref<512xf32, #tpu.memory_space<vmem>>, vector<16xf32>,
    %swap3A_1016 = vector.shape_cast %swap3A_1015 : vector<16xf32> to vector<16xf32>
    %swap3A_1017 = vector.shape_cast %add3A_1013 : vector<16xf32> to vector<16xf32>
    tpu.vector_store %arg15[%swap3A_1014], %swap3A_1017 {strides = array<i32>} : memref<512xf32, #tpu.memory_space<vmem>>, vector<16xf32>,
    %get3A_1018 = arith.constant 3 : i32
    %get3A_1019 = arith.index_cast %get3A_1018 : i32 to index
    %get3A_1020 = arith.constant 112 : index
    %get3A_1021 = tpu.vector_load %arg13[%get3A_1019, %get3A_1020] {strides = array<i32>} : memref<4x128xf32, #tpu.memory_space<vmem>>, vector<1x16xf32>,
    %get3A_1022 = vector.shape_cast %get3A_1021 : vector<1x16xf32> to vector<16xf32>
    %get3A_1023 = arith.constant 3 : i32
    %get3A_1024 = arith.index_cast %get3A_1023 : i32 to index
    %get3A_1025 = arith.constant 112 : index
    %get3A_1026 = tpu.vector_load %arg14[%get3A_1024, %get3A_1025] {strides = array<i32>} : memref<4x128xf32, #tpu.memory_space<vmem>>, vector<1x16xf32>,
    %get3A_1027 = vector.shape_cast %get3A_1026 : vector<1x16xf32> to vector<16xf32>
    %add3A_1028 = arith.addf %get3A_1022, %get3A_1027 : vector<16xf32>
    %add3A_1029 = arith.addf %add3A_1028, %get3A_521 : vector<16xf32>
    %swap3A_1030 = arith.constant 496 : index
    %swap3A_1031 = tpu.vector_load %arg15[%swap3A_1030] {strides = array<i32>} : memref<512xf32, #tpu.memory_space<vmem>>, vector<16xf32>,
    %swap3A_1032 = vector.shape_cast %swap3A_1031 : vector<16xf32> to vector<16xf32>
    %swap3A_1033 = vector.shape_cast %add3A_1029 : vector<16xf32> to vector<16xf32>
    tpu.vector_store %arg15[%swap3A_1030], %swap3A_1033 {strides = array<i32>} : memref<512xf32, #tpu.memory_space<vmem>>, vector<16xf32>,
    %mul3A_1034 = arith.constant 512 : i32
    %mul3A_1035 = arith.muli %arg0, %mul3A_1034 : i32
    %add3A_1036 = arith.addi %mul3A_0, %mul3A_1035 : i32
    "tpu.region"() ({
      %run_scoped3A = tpu.sem_alloc : memref<!tpu.dma_semaphore, #tpu.memory_space<semaphore_mem>>
      %dma_start3A_1037 = tpu.memref_slice %arg8[%add3A_1036] : memref<16384xf32, #tpu.memory_space<hbm>> -> memref<512xf32, #tpu.memory_space<hbm>>
      %dma_start3A_1038 = tpu.memref_slice %arg8[%add3A_1036] : memref<16384xf32, #tpu.memory_space<hbm>> -> memref<512xf32, #tpu.memory_space<hbm>>
      tpu.enqueue_dma source(%arg15 : memref<512xf32, #tpu.memory_space<vmem>>) target(%dma_start3A_1038 : memref<512xf32, #tpu.memory_space<hbm>>) target_semaphore(%run_scoped3A : memref<!tpu.dma_semaphore, #tpu.memory_space<semaphore_mem>>)
      %dma_wait3A_1039 = tpu.memref_slice %arg8[%add3A_1036] : memref<16384xf32, #tpu.memory_space<hbm>> -> memref<512xf32, #tpu.memory_space<hbm>>
      %dma_wait3A_1040 = tpu.memref_slice %arg8[%add3A_1036] : memref<16384xf32, #tpu.memory_space<hbm>> -> memref<512xf32, #tpu.memory_space<hbm>>
      tpu.wait_dma2 semaphore(%run_scoped3A : memref<!tpu.dma_semaphore, #tpu.memory_space<semaphore_mem>>) src(%arg15 : memref<512xf32, #tpu.memory_space<vmem>>) dst(%dma_wait3A_1040 : memref<512xf32, #tpu.memory_space<hbm>>)
      tpu.yield
    }) : () -> ()
    return
  }
}

</mosaic_0001>

<sc_bundles>
// kernel: _fm_call.3.cloned.1.call-start
scs
__scs_entry_jumppad:
0x0: {  	(pc) =	sbr.rel $0x88, $3  }
0x1: {  	(tag) =	ssettag $0x0;
	lr =	simm.s32 $0x1  }
0x2: {  	[smem:$0x3F9B] =	sst lr;
	_ =	strace $0xD0000000  }
0x3: {  	_ = 	snop  }
0x4: {  	_ = 	snop  }
0x5: {  	_ = 	snop  }
0x6: {  	_ = 	snop  }
0x7: {  	_ = 	snop  }
__scs_overlays_trampoline_lowered:
0x8: {  	[smem:$0x3FAA] =	sst s0  }
0x9: {  	[smem:$0x3FAB] =	sst s1  }
0xa: {  	[smem:$0x3FAC] =	sst s2  }
0xb: {  	[smem:$0x3FAD] =	sst s3  }
0xc: {  	[smem:$0x3FAE] =	sst s4  }
0xd: {  	[smem:$0x3FAF] =	sst s5  }
0xe: {  	[smem:$0x3FB0] =	sst s6  }
0xf: {  	[smem:$0x3FB1] =	sst s7  }
0x10: {  	[smem:$0x3FB2] =	sst s8  }
0x11: {  	[smem:$0x3FB3] =	sst s9;
	s0 =	simm.s32 @!p0 $0x0  }
0x12: {  	s1 =	sld [smem:$0x3F99];
	s0 =	simm.s32 @p0 $0x1  }
0x13: {  	[smem:$0x3FB4] =	sst s0;
	s0 =	simm.s32 @!p1 $0x0  }
0x14: {  	s2 =	sld [smem:$0x3F98];
	s0 =	simm.s32 @p1 $0x1  }
0x15: {  	[smem:$0x3FB5] =	sst s0;
	s0 =	simm.s32 @!p2 $0x0  }
0x16: {  	s3 =	sld [smem:$0x3FDB];
	s0 =	simm.s32 @p2 $0x1  }
0x17: {  	s4 =	simm.s32 $0x1BF5;
	[smem:$0x3FB7] =	sst s0  }
0x18: {  	s0 =	sld [smem:$0x3F9A];
	_ =	swait.ge [sflag:s4], $0x0  }
0x19: {  	s7 =	sld [smem:$0x3F9B]  }
0x1a: {  	s8 =	sadd.s32 $0xFFFFE003, lr  }
0x1b: {  	s9 =	sadd.s32 $0xFFFFFEF7, lr;
	s5 =	simm.s32 $0xFFFFFFFF;
	p2 =	slt.u32 s8, $0xFFFFF086  }
0x1c: {  	p1 =	slt.u32 s9, $0xF7A;
	s5 =	simm.s32 @!p2 $0x0  }
0x1d: {  	s5 =	simm.s32 @p1 $0x1;
	p0 =	seq.s32 s7, s2  }
0x1e: {  	s7 =	smul.u32 @!p0 $0xF7A, s2;
	p2 =	seq.s32 @!p0 s5, $0x0  }
0x1f: {  	s9 =	smul.u32 $0xF7A, s1;
	s8 =	simm.s32 @!p0 $0x1BF5;
	p2 =	por !p2, p0  }
0x20: {  	[sflag:s8] =	ssyncset.s32 @!p0 $0xFFFFF086;
	s6 =	sadd.s32 @!p0 s3, s7;
	s7 =	simm.s32 @!p0 $0x108  }
0x21: {  	s3 =	sadd.s32 s3, s9;
	s6 =	sadd.s32 @!p0 $0x88, s6;
	s7 =	simm.s32 @p2 $0x1082  }
0x22: {  	[simem:s7], [sflag:s8] =	dma.local @!p0 [hbm:s6], $0xF7A  }
0x23: {  	s9 =	sor.u32 $0xD0000000, s2;
	s6 =	simm.s32 $0x108;
	_ =	swait.ge @!p0 [sflag:s8], $0x0  }
0x24: {  	s3 =	sadd.s32 $0x88, s3;
	s6 =	simm.s32 @!p1 $0x1082;
	[sflag:s4] =	ssyncset.s32 $0xFFFFF086  }
0x25: {  	[simem:s6], [sflag:s4] =	dma.local [hbm:s3], $0xF7A  }
0x26: {  	[smem:$0x3F9B] =	sst s1;
	(tag) =	ssettag s2;
	_ =	strace s9  }
0x27: {  	s1 =	sld [smem:$0x3FAB]  }
0x28: {  	s2 =	sld [smem:$0x3FAC]  }
0x29: {  	s4 =	sld [smem:$0x3FAE]  }
0x2a: {  	p0 =	seq.s32 s5, $0x0;
	s5 =	sld [smem:$0x3FAF]  }
0x2b: {  	s6 =	sld [smem:$0x3FB0]  }
0x2c: {  	s7 =	sld [smem:$0x3FB1]  }
0x2d: {  	s3 =	simm.s32 $0x108;
	s8 =	sld [smem:$0x3FB2]  }
0x2e: {  	s3 =	simm.s32 @!p0 $0x1082;
	s9 =	sld [smem:$0x3FB3]  }
0x2f: {  	lr =	sadd.s32 s0, s3;
	s0 =	sld [smem:$0x3FAA]  }
0x30: {  	s3 =	sld [smem:$0x3FAD]  }
0x31: {  	[smem:$0x3FB6] =	sst s10  }
0x32: {  	s10 =	sld [smem:$0x3FB4];
	_ =	sdelay $0x3  }
0x33: {  	p0 =	seq.s32 s10, $0x1;
	s10 =	sld [smem:$0x3FB6];
	_ =	sdelay $0x3  }
0x34: {  	[smem:$0x3FB6] =	sst s10  }
0x35: {  	s10 =	sld [smem:$0x3FB5];
	_ =	sdelay $0x3  }
0x36: {  	p1 =	seq.s32 s10, $0x1;
	s10 =	sld [smem:$0x3FB6];
	_ =	sdelay $0x3  }
0x37: {  	[smem:$0x3FB6] =	sst s10  }
0x38: {  	s10 =	sld [smem:$0x3FB7]  }
0x39: {  	_ = 	snop;
	(pc) =	sbr.ind lr, $3  }
0x3a: {  	_ = 	snop  }
0x3b: {  	_ = 	snop  }
0x3c: {  	p2 =	seq.s32 s10, $0x1;
	s10 =	sld [smem:$0x3FB6]  }
0x3d: {  	_ =	shalt  }
0x3e: {  	_ =	shalt  }
0x3f: {  	_ =	shalt  }
0x40: {  	_ =	shalt  }
0x41: {  	_ =	shalt  }
0x42: {  	_ =	shalt  }
0x43: {  	_ =	shalt  }
0x44: {  	_ =	shalt  }
0x45: {  	_ =	shalt  }
0x46: {  	_ =	shalt  }
0x47: {  	_ =	shalt  }
0x48: {  	_ =	shalt  }
0x49: {  	_ =	shalt  }
0x4a: {  	_ =	shalt  }
0x4b: {  	_ =	shalt  }
0x4c: {  	_ =	shalt  }
0x4d: {  	_ =	shalt  }
0x4e: {  	_ =	shalt  }
0x4f: {  	_ =	shalt  }
0x50: {  	_ =	shalt  }
0x51: {  	_ =	shalt  }
0x52: {  	_ =	shalt  }
0x53: {  	_ =	shalt  }
0x54: {  	_ =	shalt  }
0x55: {  	_ =	shalt  }
0x56: {  	_ =	shalt  }
0x57: {  	_ =	shalt  }
0x58: {  	_ =	shalt  }
0x59: {  	_ =	shalt  }
0x5a: {  	_ =	shalt  }
0x5b: {  	_ =	shalt  }
0x5c: {  	_ =	shalt  }
0x5d: {  	_ =	shalt  }
0x5e: {  	_ =	shalt  }
0x5f: {  	_ =	shalt  }
0x60: {  	_ =	shalt  }
0x61: {  	_ =	shalt  }
0x62: {  	_ =	shalt  }
0x63: {  	_ =	shalt  }
0x64: {  	_ =	shalt  }
0x65: {  	_ =	shalt  }
0x66: {  	_ =	shalt  }
0x67: {  	_ =	shalt  }
0x68: {  	_ =	shalt  }
0x69: {  	_ =	shalt  }
0x6a: {  	_ =	shalt  }
0x6b: {  	_ =	shalt  }
0x6c: {  	_ =	shalt  }
0x6d: {  	_ =	shalt  }
0x6e: {  	_ =	shalt  }
0x6f: {  	_ =	shalt  }
0x70: {  	_ =	shalt  }
0x71: {  	_ =	shalt  }
0x72: {  	_ =	shalt  }
0x73: {  	_ =	shalt  }
0x74: {  	_ =	shalt  }
0x75: {  	_ =	shalt  }
0x76: {  	_ =	shalt  }
0x77: {  	_ =	shalt  }
0x78: {  	_ =	shalt  }
0x79: {  	_ =	shalt  }
0x7a: {  	_ =	shalt  }
0x7b: {  	_ =	shalt  }
0x7c: {  	_ =	shalt  }
0x7d: {  	_ =	shalt  }
0x7e: {  	_ =	shalt  }
0x7f: {  	_ =	shalt  }
0x80: {  	_ =	shalt  }
0x81: {  	_ =	shalt  }
0x82: {  	_ =	shalt  }
0x83: {  	_ =	shalt  }
0x84: {  	_ =	shalt  }
0x85: {  	_ =	shalt  }
0x86: {  	_ =	shalt  }
0x87: {  	_ =	shalt  }
.Lfunc_end0:
.L_simem_size_0:
called_computation_lowered:
.L_overlay_start_0:
0x88: {  	s2 =	sld [smem:$0x3FD9]  }
0x89: {  	s3 =	sld [smem:$0x3FFE];
	_ =	sdelay $0x1  }
0x8a: {  	s1 =	srdreg.scid  }
0x8b: {  	s0 =	sand.u32 $0x1, s1  }
0x8c: {  	s17 =	sshll.u32 s0, $0xA;
	s2 =	sadd.s32 s3, s2  }
0x8d: {  	s2 =	sadd.s32 s2, s17  }
0x8e: {  	[smem:$0x3FC2] =	sst s2  }
0x8f: {  	_ = 	snop  }
0x90: {  	s2 =	sld [smem:$0x3FC9]  }
0x91: {  	s18 =	sld [smem:$0x3FC8]  }
0x92: {  	s4 =	sld [smem:$0x3FC6]  }
0x93: {  	s5 =	sld [smem:$0x3FC4]  }
0x94: {  	s6 =	sld [smem:$0x3FD0];
	(tm) =	ssettm $0x1  }
0x95: {  	s7 =	sld [smem:$0x3FFB];
	_ =	sdelay $0x3  }
0x96: {  	_ =	strace s7  }
0x97: {  	s7 =	sld [smem:$0x3FFC];
	_ =	sdelay $0x3  }
0x98: {  	_ =	strace s7  }
0x99: {  	s7 =	sld [smem:$0x3FFD];
	_ =	sdelay $0x3  }
0x9a: {  	_ =	strace s7  }
0x9b: {  	_ =	strace $0x8FFFFFFF  }
0x9c: {  	s19 =	sld [smem:$0x3FDB];
	_ =	sdelay $0x1  }
0x9d: {  	s8 =	simm.s32 $_scs_section_size  }
0x9e: {  	s9 =	simm.s32 $_size__tile_overlayer_lowered;
	s10 =	simm.s32 $_tile_overlayer_lowered  }
0x9f: {  	s22 =	simm.s32 $0x1BFF;
	s21 =	sshll.u32 s10, $0x1;
	s7 =	sadd.s32 s8, s19  }
0xa0: {  	s11 =	simm.s32 $0x0;
	s20 =	sshll.u32 s9, $0x1;
	s9 =	sadd.s32 s21, s7  }
0xa1: {  	[timem:s11], [sflag:s22] =	dma.local [hbm:s9], s20  }
0xa2: {  	_ =	swait.ge [sflag:s22], s20  }
0xa3: {  	s8 =	ssub.s32 $0x0, s20;
	[sflag:s22] =	ssyncset.done $0x0  }
0xa4: {  	[sflag:s22] =	ssyncadd.s32 s8;
	_ =	sdelay $0x1  }
0xa5: {  	s23 =	simm.s32 $0x1B8B  }
0xa6: {  	_ =	swait.ge [sflag:s23], $0x1  }
0xa7: {  	[sflag:s23] =	ssyncset.done $0x0  }
0xa8: {  	s25 =	simm.s32 $0x1B8E;
	s24 =	sld [smem:$0x3FFE];
	[sflag:s23] =	ssyncadd.s32 $0xFFFFFFFF  }
0xa9: {  	s26 =	simm.s32 $execute0_lowered;
	[smem:$0x3FD2] =	sst s25  }
0xaa: {  	s9 =	sshll.u32 s26, $0x1;
	_ =	strace $0x80000046;
	[dreg:$0x1] =	wrdreg $0xFFFFFFFF  }
0xab: {  	s28 =	simm.s32 $_size_execute0_lowered;
	s7 =	sadd.s32 s7, s9;
	[dreg:$0x0] =	wrdreg $0x0  }
0xac: {  	s9 =	sshll.u32 s28, $0x1;
	[dreg:$0x2] =	wrdreg s7  }
0xad: {  	[dreg:$0x3] =	wrdreg s9  }
0xae: {  	[dreg:$0x4] =	wrdreg $0xC0  }
0xaf: {  	_ =	task [dreg:s11], $0x5FFFF  }
0xb0: {  	[dreg:$0x1] =	wrdreg $0xFFFFFFFF  }
0xb1: {  	[dreg:$0x0] =	wrdreg $0x60  }
0xb2: {  	[dreg:$0x2] =	wrdreg s2  }
0xb3: {  	[dreg:$0x3] =	wrdreg s18  }
0xb4: {  	[dreg:$0x4] =	wrdreg s24  }
0xb5: {  	[dreg:$0x5] =	wrdreg s4  }
0xb6: {  	[dreg:$0x6] =	wrdreg s5  }
0xb7: {  	[dreg:$0x7] =	wrdreg s6  }
0xb8: {  	[dreg:$0x8] =	wrdreg $0x8E400  }
0xb9: {  	[dreg:$0x9] =	wrdreg $0x9  }
0xba: {  	_ =	task.clear_ibuf [dreg:s11], $0xAFFFF;
	_ =	strace $0x90000046  }
0xbb: {  	s29 =	simm.s32 $0x9;
	_ =	strace $0x80000048  }
0xbc: {  	_ =	swait.ge [sflag:s29], $0x1  }
0xbd: {  	[sflag:s29] =	ssyncadd.s32 $0xFFFFFFFF  }
0xbe: {  	_ =	strace $0x90000048  }
0xbf: {  	_ =	sfence  }
0xc0: {  	s30 =	sld [smem:$0x0];
	_ =	sdelay $0x2  }
0xc1: {  	s31 =	sshll.u32 s1, $0xD;
	s1 =	sshrl.u32 s1, $0x2  }
0xc2: {  	s3 =	sand.u32 $0x4000, s31;
	s1 =	sadd.s32 s1, s30  }
0xc3: {  	s0 =	sor.u32 s3, s0;
	s1 =	sshll.u32 s1, $0x11  }
0xc4: {  	s0 =	sor.u32 s1, s0  }
0xc5: {  	s0 =	sadd.s32 $0x8F2B, s0  }
0xc6: {  	[sflag:s0] =	ssyncadd.remote.s32 $0x1  }
0xc7: {  	_ =	sfence.sel $0xFFFF  }
0xc8: {  	[dreg:$0x0] =	wrdreg $0xFFFFFFFF;
	(pc) =	sbr.abs _section_cstart, $3  }
0xc9: {  	[dreg:$0x1] =	wrdreg $0xFFFFFFFF  }
0xca: {  	_ =	task.clear_ibuf [dreg:s11], $0x2FFFF;
	_ =	strace $0x9FFFFFFF  }
0xcb: {  	(tm) =	ssettm $0x7FFFFFFF  }
tec
execute0_lowered:
.L_overlay_start_1:
0x0: {  	(tag) =	ssettag $0x1  }
0x1: {  	s0 =	rddreg [dreg:$0x0]  }
0x2: {  	s9 =	rddreg [dreg:$0x1]  }
0x3: {  	s6 =	rddreg [dreg:$0x2]  }
0x4: {  	s1 =	rddreg [dreg:$0x3]  }
0x5: {  	s2 =	rddreg [dreg:$0x4]  }
0x6: {  	s17 =	rddreg [dreg:$0x5]  }
0x7: {  	s3 =	rddreg [dreg:$0x6];
	s4 =	simm.s32 $0x0;
	s5 =	srdreg.scid  }
0x8: {  	s19 =	stileid.u32;
	s20 =	simm.s32 $0x400;
	s21 =	simm.s32 $0x80  }
0x9: {  	s30 =	simm.s32 $0x1;
	s31 =	simm.s32 $0x10;
	s22 =	simm.s32 $0x8E00  }
0xa: {  	s23 =	simm.s32 $0x8E30;
	s24 =	simm.s32 $0x8C00;
	s25 =	simm.s32 $0x0  }
0xb: {  	[smem:$0x7FF] =	sst s4;
	s8 =	sand.u32 $0x1, s5;
	s5 =	sadd.s32 $0xF42800, s6  }
0xc: {  	s6 =	sadd.s32 $0x112AE00, s6;
	s28 =	sshll.u32 s19, $0x7;
	s14 =	sshll.u32 s19, $0xA  }
0xd: {  	p0 =	sne.s32 s19, $0x0;
	s19 =	simm.s32 $0x2;
	_ =	strace $0x80000047  }
0xe: {  	s7 =	ssub.s32 $0x2, s8;
	s8 =	sshll.u32 s8, $0x9;
	s9 =	sadd.s32 s9, s28  }
0xf: {  	s10 =	sshrl.u32 s7, $0x1;
	s11 =	sor.u32 $0x80, s8;
	s12 =	sor.u32 $0x480, s8  }
0x10: {  	s13 =	sor.u32 $0x100, s8;
	s29 =	sor.u32 s8, s14;
	s14 =	sor.u32 $0x500, s8  }
0x11: {  	s15 =	sor.u32 $0x180, s8;
	s16 =	sor.u32 $0x580, s8;
	s18 =	ssub.s32 s7, s10  }
0x12: {  	s7 =	sadd.s32 s0, s28;
	s10 =	sor.u32 $0x400, s8;
	s0 =	sshrl.u32 s29, $0x3  }
0x13: {  	v0 =	vimm.s32 $0x0;
	s17 =	sadd.s32 s17, s0;
	s18 =	smax.u32 s18, $0x1;
	s0 =	simm.s32 $0x8E10  }
.LBB2_1:
0x14: {  	[tilespmem:$0x8E10] =	vst v0;
	v1 =	vimm.f32 @!p0 $0.0e+00  }
0x15: {  	s26 =	simm.s32 @!p0 $0x8E20;
	[tilespmem:$0x8E20] =	vst @!p0 v1  }
0x16: {  	[spmem:s3] =	stream.linear.scatter @!p0 [tilespmem:s26], [sflag:$0x2], $0x10, $0x38;
	[tilespmem:$0x8E48] =	vst v63  }
0x17: {  	s26 =	simm.s32 @!p0 $0x2  }
0x18: {  	_ =	swait.ge @!p0 [sflag:s26], $0x10  }
0x19: {  	[sflag:s26] =	ssyncset.done @!p0 $0x0  }
0x1a: {  	[sflag:s26] =	ssyncadd.s32 @!p0 $0xFFFFFFF0  }
0x1b: {  	[bflag:$0x0] =	sbarrier.arrive $0xFFFF  }
0x1c: {  	[tilespmem:s4], [sflag:$0x2] =	stream.linear.gather [hbm4b:s7+s4], $0x400, $0x38;
	[tilespmem:$0x8E48] =	vst v63  }
0x1d: {  	_ =	swait.ge [sflag:s19], $0x400  }
0x1e: {  	[sflag:s19] =	ssyncset.done $0x0  }
0x1f: {  	[sflag:s19] =	ssyncadd.s32 $0xFFFFFC00  }
0x20: {  	[tilespmem:s20], [sflag:$0x2] =	stream.linear.gather [hbm4b:s9+s4], $0x400, $0x38;
	[tilespmem:$0x8E48] =	vst v63  }
0x21: {  	_ =	swait.ge [sflag:s19], $0x400  }
0x22: {  	[sflag:s19] =	ssyncset.done $0x0  }
0x23: {  	s26 =	simm.s32 $0x800;
	[sflag:s19] =	ssyncadd.s32 $0xFFFFFC00  }
0x24: {  	[tilespmem:s26], [sflag:$0x1] =	stream.indirect.gather [hbm4b:s5+s21], $0x10, s4, s21, $0xb8;
	[tilespmem:$0x8E48] =	vst v63  }
0x25: {  	s26 =	simm.s32 $0x4800  }
0x26: {  	[tilespmem:s26], [sflag:$0x1] =	stream.indirect.gather [hbm4b:s6+s21], $0x10, s20, s21, $0xb8;
	[tilespmem:$0x8E48] =	vst v63  }
0x27: {  	s26 =	simm.s32 $0x1000  }
0x28: {  	[tilespmem:s26], [sflag:$0x1] =	stream.indirect.gather [hbm4b:s5+s21], $0x10, s21, s21, $0xb8;
	[tilespmem:$0x8E48] =	vst v63  }
0x29: {  	s28 =	simm.s32 $0x5000;
	s26 =	simm.s32 $0x480  }
0x2a: {  	[tilespmem:s28], [sflag:$0x1] =	stream.indirect.gather [hbm4b:s6+s21], $0x10, s26, s21, $0xb8;
	[tilespmem:$0x8E48] =	vst v63  }
0x2b: {  	s26 =	simm.s32 $0x100;
	s28 =	simm.s32 $0x1800  }
0x2c: {  	[tilespmem:s28], [sflag:$0x1] =	stream.indirect.gather [hbm4b:s5+s21], $0x10, s26, s21, $0xb8;
	[tilespmem:$0x8E48] =	vst v63  }
0x2d: {  	s26 =	simm.s32 $0x500;
	s28 =	simm.s32 $0x5800  }
0x2e: {  	[tilespmem:s28], [sflag:$0x1] =	stream.indirect.gather [hbm4b:s6+s21], $0x10, s26, s21, $0xb8;
	[tilespmem:$0x8E48] =	vst v63  }
0x2f: {  	s26 =	simm.s32 $0x180;
	s28 =	simm.s32 $0x2000  }
0x30: {  	[tilespmem:s28], [sflag:$0x1] =	stream.indirect.gather [hbm4b:s5+s21], $0x10, s26, s21, $0xb8;
	[tilespmem:$0x8E48] =	vst v63  }
0x31: {  	s26 =	simm.s32 $0x580;
	s28 =	simm.s32 $0x6000  }
0x32: {  	[tilespmem:s28], [sflag:$0x1] =	stream.indirect.gather [hbm4b:s6+s21], $0x10, s26, s21, $0xb8;
	[tilespmem:$0x8E48] =	vst v63  }
0x33: {  	s26 =	simm.s32 $0x200;
	s28 =	simm.s32 $0x2800  }
0x34: {  	[tilespmem:s28], [sflag:$0x1] =	stream.indirect.gather [hbm4b:s5+s21], $0x10, s26, s21, $0xb8;
	[tilespmem:$0x8E48] =	vst v63  }
0x35: {  	s26 =	simm.s32 $0x600;
	s28 =	simm.s32 $0x6800  }
0x36: {  	[tilespmem:s28], [sflag:$0x1] =	stream.indirect.gather [hbm4b:s6+s21], $0x10, s26, s21, $0xb8;
	[tilespmem:$0x8E48] =	vst v63  }
0x37: {  	s26 =	simm.s32 $0x280;
	s28 =	simm.s32 $0x3000  }
0x38: {  	[tilespmem:s28], [sflag:$0x1] =	stream.indirect.gather [hbm4b:s5+s21], $0x10, s26, s21, $0xb8;
	[tilespmem:$0x8E48] =	vst v63  }
0x39: {  	s26 =	simm.s32 $0x680;
	s28 =	simm.s32 $0x7000  }
0x3a: {  	[tilespmem:s28], [sflag:$0x1] =	stream.indirect.gather [hbm4b:s6+s21], $0x10, s26, s21, $0xb8;
	[tilespmem:$0x8E48] =	vst v63  }
0x3b: {  	s26 =	simm.s32 $0x300;
	s28 =	simm.s32 $0x3800  }
0x3c: {  	[tilespmem:s28], [sflag:$0x1] =	stream.indirect.gather [hbm4b:s5+s21], $0x10, s26, s21, $0xb8;
	[tilespmem:$0x8E48] =	vst v63  }
0x3d: {  	s26 =	simm.s32 $0x700;
	s28 =	simm.s32 $0x7800  }
0x3e: {  	[tilespmem:s28], [sflag:$0x1] =	stream.indirect.gather [hbm4b:s6+s21], $0x10, s26, s21, $0xb8;
	[tilespmem:$0x8E48] =	vst v63  }
0x3f: {  	s26 =	simm.s32 $0x380;
	s28 =	simm.s32 $0x4000  }
0x40: {  	[tilespmem:s28], [sflag:$0x1] =	stream.indirect.gather [hbm4b:s5+s21], $0x10, s26, s21, $0xb8;
	[tilespmem:$0x8E48] =	vst v63  }
0x41: {  	s26 =	simm.s32 $0x780;
	s28 =	simm.s32 $0x8000  }
0x42: {  	[tilespmem:s28], [sflag:$0x1] =	stream.indirect.gather [hbm4b:s6+s21], $0x10, s26, s21, $0xb8;
	[tilespmem:$0x8E48] =	vst v63  }
0x43: {  	s26 =	simm.s32 $0x8800  }
0x44: {  	[tilespmem:s26], [sflag:$0x1] =	stream.indirect.gather [hbm4b:s1+s21], $0x1, s8, s21, $0xb8;
	[tilespmem:$0x8E48] =	vst v63  }
0x45: {  	s26 =	simm.s32 $0x8A00  }
0x46: {  	[tilespmem:s26], [sflag:$0x1] =	stream.indirect.gather [hbm4b:s2+s21], $0x1, s10, s21, $0xb8;
	[tilespmem:$0x8E48] =	vst v63  }
0x47: {  	s26 =	simm.s32 $0x8880  }
0x48: {  	[tilespmem:s26], [sflag:$0x1] =	stream.indirect.gather [hbm4b:s1+s21], $0x1, s11, s21, $0xb8;
	[tilespmem:$0x8E48] =	vst v63  }
0x49: {  	s26 =	simm.s32 $0x8A80  }
0x4a: {  	[tilespmem:s26], [sflag:$0x1] =	stream.indirect.gather [hbm4b:s2+s21], $0x1, s12, s21, $0xb8;
	[tilespmem:$0x8E48] =	vst v63  }
0x4b: {  	s26 =	simm.s32 $0x8900  }
0x4c: {  	[tilespmem:s26], [sflag:$0x1] =	stream.indirect.gather [hbm4b:s1+s21], $0x1, s13, s21, $0xb8;
	[tilespmem:$0x8E48] =	vst v63  }
0x4d: {  	s26 =	simm.s32 $0x8B00  }
0x4e: {  	[tilespmem:s26], [sflag:$0x1] =	stream.indirect.gather [hbm4b:s2+s21], $0x1, s14, s21, $0xb8;
	[tilespmem:$0x8E48] =	vst v63  }
0x4f: {  	s26 =	simm.s32 $0x8980  }
0x50: {  	[tilespmem:s26], [sflag:$0x1] =	stream.indirect.gather [hbm4b:s1+s21], $0x1, s15, s21, $0xb8;
	[tilespmem:$0x8E48] =	vst v63  }
0x51: {  	s26 =	simm.s32 $0x8B80  }
0x52: {  	[tilespmem:s26], [sflag:$0x1] =	stream.indirect.gather [hbm4b:s2+s21], $0x1, s16, s21, $0xb8;
	[tilespmem:$0x8E48] =	vst v63  }
0x53: {  	_ =	swait.ge [sflag:s30], $0x800  }
0x54: {  	[sflag:s30] =	ssyncset.done $0x0  }
0x55: {  	[sflag:s30] =	ssyncadd.s32 $0xFFFFF800  }
0x56: {  	_ =	swait.ge [sflag:s30], $0x800  }
0x57: {  	[sflag:s30] =	ssyncset.done $0x0  }
0x58: {  	[sflag:s30] =	ssyncadd.s32 $0xFFFFF800  }
0x59: {  	_ =	swait.ge [sflag:s30], $0x800  }
0x5a: {  	[sflag:s30] =	ssyncset.done $0x0  }
0x5b: {  	[sflag:s30] =	ssyncadd.s32 $0xFFFFF800  }
0x5c: {  	_ =	swait.ge [sflag:s30], $0x800  }
0x5d: {  	[sflag:s30] =	ssyncset.done $0x0  }
0x5e: {  	[sflag:s30] =	ssyncadd.s32 $0xFFFFF800  }
0x5f: {  	_ =	swait.ge [sflag:s30], $0x800  }
0x60: {  	[sflag:s30] =	ssyncset.done $0x0  }
0x61: {  	[sflag:s30] =	ssyncadd.s32 $0xFFFFF800  }
0x62: {  	_ =	swait.ge [sflag:s30], $0x800  }
0x63: {  	[sflag:s30] =	ssyncset.done $0x0  }
0x64: {  	[sflag:s30] =	ssyncadd.s32 $0xFFFFF800  }
0x65: {  	_ =	swait.ge [sflag:s30], $0x800  }
0x66: {  	[sflag:s30] =	ssyncset.done $0x0  }
0x67: {  	[sflag:s30] =	ssyncadd.s32 $0xFFFFF800  }
0x68: {  	_ =	swait.ge [sflag:s30], $0x800  }
0x69: {  	[sflag:s30] =	ssyncset.done $0x0  }
0x6a: {  	[sflag:s30] =	ssyncadd.s32 $0xFFFFF800  }
0x6b: {  	_ =	swait.ge [sflag:s30], $0x800  }
0x6c: {  	[sflag:s30] =	ssyncset.done $0x0  }
0x6d: {  	[sflag:s30] =	ssyncadd.s32 $0xFFFFF800  }
0x6e: {  	_ =	swait.ge [sflag:s30], $0x800  }
0x6f: {  	[sflag:s30] =	ssyncset.done $0x0  }
0x70: {  	[sflag:s30] =	ssyncadd.s32 $0xFFFFF800  }
0x71: {  	_ =	swait.ge [sflag:s30], $0x800  }
0x72: {  	[sflag:s30] =	ssyncset.done $0x0  }
0x73: {  	[sflag:s30] =	ssyncadd.s32 $0xFFFFF800  }
0x74: {  	_ =	swait.ge [sflag:s30], $0x800  }
0x75: {  	[sflag:s30] =	ssyncset.done $0x0  }
0x76: {  	[sflag:s30] =	ssyncadd.s32 $0xFFFFF800  }
0x77: {  	_ =	swait.ge [sflag:s30], $0x800  }
0x78: {  	[sflag:s30] =	ssyncset.done $0x0  }
0x79: {  	[sflag:s30] =	ssyncadd.s32 $0xFFFFF800  }
0x7a: {  	_ =	swait.ge [sflag:s30], $0x800  }
0x7b: {  	[sflag:s30] =	ssyncset.done $0x0  }
0x7c: {  	[sflag:s30] =	ssyncadd.s32 $0xFFFFF800  }
0x7d: {  	_ =	swait.ge [sflag:s30], $0x800  }
0x7e: {  	[sflag:s30] =	ssyncset.done $0x0  }
0x7f: {  	[sflag:s30] =	ssyncadd.s32 $0xFFFFF800  }
0x80: {  	_ =	swait.ge [sflag:s30], $0x800  }
0x81: {  	[sflag:s30] =	ssyncset.done $0x0  }
0x82: {  	[sflag:s30] =	ssyncadd.s32 $0xFFFFF800  }
0x83: {  	_ =	swait.ge [sflag:s30], $0x80  }
0x84: {  	[sflag:s30] =	ssyncset.done $0x0  }
0x85: {  	[sflag:s30] =	ssyncadd.s32 $0xFFFFFF80  }
0x86: {  	_ =	swait.ge [sflag:s30], $0x80  }
0x87: {  	[sflag:s30] =	ssyncset.done $0x0  }
0x88: {  	[sflag:s30] =	ssyncadd.s32 $0xFFFFFF80  }
0x89: {  	_ =	swait.ge [sflag:s30], $0x80  }
0x8a: {  	[sflag:s30] =	ssyncset.done $0x0  }
0x8b: {  	[sflag:s30] =	ssyncadd.s32 $0xFFFFFF80  }
0x8c: {  	_ =	swait.ge [sflag:s30], $0x80  }
0x8d: {  	[sflag:s30] =	ssyncset.done $0x0  }
0x8e: {  	[sflag:s30] =	ssyncadd.s32 $0xFFFFFF80  }
0x8f: {  	_ =	swait.ge [sflag:s30], $0x80  }
0x90: {  	[sflag:s30] =	ssyncset.done $0x0  }
0x91: {  	[sflag:s30] =	ssyncadd.s32 $0xFFFFFF80  }
0x92: {  	_ =	swait.ge [sflag:s30], $0x80  }
0x93: {  	[sflag:s30] =	ssyncset.done $0x0  }
0x94: {  	[sflag:s30] =	ssyncadd.s32 $0xFFFFFF80  }
0x95: {  	_ =	swait.ge [sflag:s30], $0x80  }
0x96: {  	[sflag:s30] =	ssyncset.done $0x0  }
0x97: {  	[sflag:s30] =	ssyncadd.s32 $0xFFFFFF80  }
0x98: {  	_ =	swait.ge [sflag:s30], $0x80  }
0x99: {  	[sflag:s30] =	ssyncset.done $0x0  }
0x9a: {  	s28 =	simm.s32 $0x840;
	[sflag:s30] =	ssyncadd.s32 $0xFFFFFF80  }
0x9b: {  	s26 =	simm.s32 $0x4840;
	v1 =	vld [tilespmem:s28+$0xFFFFFFC0]  }
0x9c: {  	v2 =	vld [tilespmem:s26+$0xFFFFFFC0]  }
0x9d: {  	v3 =	vld [tilespmem:s28+$0xFFFFFFD0]  }
0x9e: {  	v4 =	vld [tilespmem:s26+$0xFFFFFFD0]  }
0x9f: {  	v5 =	vld [tilespmem:s28+$0xFFFFFFE0]  }
0xa0: {  	v6 =	vld [tilespmem:s26+$0xFFFFFFE0]  }
0xa1: {  	v7 =	vld [tilespmem:s28+$0xFFFFFFF0];
	v1 =	vmul.f32 v2, v1  }
0xa2: {  	v8 =	vld [tilespmem:s26+$0xFFFFFFF0];
	v2 =	vimm.f32 $0.0e+00  }
0xa3: {  	v9 =	vld [tilespmem:s28+$0x0];
	v3 =	vmul.f32 v4, v3;
	v1 =	vadd.f32 v1, v2  }
0xa4: {  	v10 =	vld [tilespmem:s26+$0x0]  }
0xa5: {  	v4 =	vmul.f32 v6, v5;
	v5 =	vld [tilespmem:s26+$0x10];
	v3 =	vadd.f32 v3, v1  }
0xa6: {  	v2 =	vld [tilespmem:s28+$0x10]  }
0xa7: {  	v7 =	vmul.f32 v8, v7;
	v1 =	vld [tilespmem:s28+$0x20];
	v6 =	vadd.f32 v4, v3  }
0xa8: {  	v4 =	vld [tilespmem:s26+$0x20]  }
0xa9: {  	v8 =	vmul.f32 v10, v9;
	v3 =	vld [tilespmem:s28+$0x30];
	v7 =	vadd.f32 v7, v6  }
0xaa: {  	s29 =	simm.s32 $0x8C0;
	s28 =	simm.s32 $0x0;
	v6 =	vld [tilespmem:s26+$0x30]  }
.LBB2_2:
0xab: {  	v9 =	vld [tilespmem:s29+$0xFFFFFFC0];
	v7 =	vadd.f32 v8, v7;
	v2 =	vmul.f32 v5, v2;
	s26 =	sadd.s32 $0x80, s26  }
0xac: {  	s28 =	sadd.s32 $0x8, s28;
	v5 =	vld [tilespmem:s26+$0xFFFFFFC0]  }
0xad: {  	p1 =	slt.u32 s28, $0x3F8;
	v8 =	vld [tilespmem:s29+$0xFFFFFFD0];
	v2 =	vadd.f32 v2, v7;
	v1 =	vmul.f32 v4, v1  }
0xae: {  	v4 =	vld [tilespmem:s26+$0xFFFFFFD0]  }
0xaf: {  	v7 =	vld [tilespmem:s29+$0xFFFFFFE0];
	v1 =	vadd.f32 v1, v2;
	v2 =	vmul.f32 v6, v3  }
0xb0: {  	v3 =	vld [tilespmem:s26+$0xFFFFFFE0]  }
0xb1: {  	v5 =	vmul.f32 v5, v9;
	v6 =	vld [tilespmem:s29+$0xFFFFFFF0];
	v1 =	vadd.f32 v2, v1  }
0xb2: {  	v9 =	vld [tilespmem:s26+$0xFFFFFFF0]  }
0xb3: {  	v1 =	vadd.f32 v5, v1;
	v2 =	vmul.f32 v4, v8;
	v8 =	vld [tilespmem:s29+$0x0]  }
0xb4: {  	v10 =	vld [tilespmem:s26+$0x0]  }
0xb5: {  	v1 =	vadd.f32 v2, v1;
	v3 =	vmul.f32 v3, v7;
	v2 =	vld [tilespmem:s29+$0x10]  }
.Ltmp0:
0xb6: {  	v5 =	vld [tilespmem:s26+$0x10];
	(pc) =	sbr.rel @p1 .LBB2_2-.Ltmp0, $4  }
0xb7: {  	v3 =	vadd.f32 v3, v1;
	v6 =	vmul.f32 v9, v6;
	v1 =	vld [tilespmem:s29+$0x20]  }
0xb8: {  	v4 =	vld [tilespmem:s26+$0x20]  }
0xb9: {  	v7 =	vadd.f32 v6, v3;
	v8 =	vmul.f32 v10, v8;
	v3 =	vld [tilespmem:s29+$0x30]  }
0xba: {  	s29 =	sadd.s32 $0x80, s29;
	v6 =	vld [tilespmem:s26+$0x30]  }
0xbb: {  	v7 =	vadd.f32 v8, v7;
	v2 =	vmul.f32 v5, v2;
	_ =	sdelay $0x1  }
0xbc: {  	v2 =	vadd.f32 v2, v7;
	v1 =	vmul.f32 v4, v1;
	_ =	sdelay $0x1  }
0xbd: {  	v1 =	vadd.f32 v1, v2;
	v2 =	vmul.f32 v6, v3;
	_ =	sdelay $0x1  }
0xbe: {  	v1 =	vadd.f32 v2, v1;
	_ =	sdelay $0x1  }
0xbf: {  	[tilespmem:$0x8E00] =	vst v1  }
0xc0: {  	[spmem:s3] =	stream.indirect.scatter.add.f32 [tilespmem:s22], [sflag:$0x2], $0x1, s0, s31, $0xb8;
	[tilespmem:$0x8E48] =	vst v63  }
0xc1: {  	_ =	swait.ge [sflag:s19], $0x10  }
0xc2: {  	[sflag:s19] =	ssyncset.done $0x0  }
0xc3: {  	[sflag:s19] =	ssyncadd.s32 $0xFFFFFFF0  }
0xc4: {  	[bflag:$0x0] =	sbarrier.arrive $0xFFFF  }
0xc5: {  	[tilespmem:s23], [sflag:$0x1] =	stream.indirect.gather [spmem:s3], $0x1, s0, s31, $0xb8;
	[tilespmem:$0x8E48] =	vst v63  }
0xc6: {  	_ =	swait.ge [sflag:s30], $0x10  }
0xc7: {  	[sflag:s30] =	ssyncset.done $0x0  }
0xc8: {  	[sflag:s30] =	ssyncadd.s32 $0xFFFFFFF0  }
0xc9: {  	v1 =	vld [tilespmem:$0x8E30]  }
0xca: {  	v2 =	vld [tilespmem:$0x8800]  }
0xcb: {  	v3 =	vld [tilespmem:$0x8A00]  }
0xcc: {  	v41 =	vld [tilespmem:$0x8810]  }
0xcd: {  	v42 =	vld [tilespmem:$0x8A10]  }
0xce: {  	v43 =	vld [tilespmem:$0x8820]  }
0xcf: {  	v44 =	vld [tilespmem:$0x8A20]  }
0xd0: {  	v45 =	vld [tilespmem:$0x8830]  }
0xd1: {  	v9 =	vld [tilespmem:$0x8A30]  }
0xd2: {  	v10 =	vld [tilespmem:$0x8840]  }
0xd3: {  	v11 =	vld [tilespmem:$0x8A40]  }
0xd4: {  	v12 =	vld [tilespmem:$0x8850]  }
0xd5: {  	v13 =	vld [tilespmem:$0x8A50]  }
0xd6: {  	v14 =	vld [tilespmem:$0x8860]  }
0xd7: {  	v15 =	vld [tilespmem:$0x8A60]  }
0xd8: {  	v16 =	vld [tilespmem:$0x8870]  }
0xd9: {  	v17 =	vld [tilespmem:$0x8A70]  }
0xda: {  	v18 =	vld [tilespmem:$0x8880]  }
0xdb: {  	v19 =	vld [tilespmem:$0x8A80]  }
0xdc: {  	v20 =	vld [tilespmem:$0x8890]  }
0xdd: {  	v21 =	vld [tilespmem:$0x8A90]  }
0xde: {  	v22 =	vld [tilespmem:$0x88A0]  }
0xdf: {  	v23 =	vld [tilespmem:$0x8AA0]  }
0xe0: {  	v24 =	vld [tilespmem:$0x88B0]  }
0xe1: {  	v25 =	vld [tilespmem:$0x8AB0]  }
0xe2: {  	v26 =	vld [tilespmem:$0x88C0]  }
0xe3: {  	v27 =	vld [tilespmem:$0x8AC0]  }
0xe4: {  	v28 =	vld [tilespmem:$0x88D0]  }
0xe5: {  	v29 =	vld [tilespmem:$0x8AD0]  }
0xe6: {  	v30 =	vld [tilespmem:$0x88E0]  }
0xe7: {  	v31 =	vld [tilespmem:$0x8AE0]  }
0xe8: {  	v32 =	vld [tilespmem:$0x88F0]  }
0xe9: {  	v33 =	vld [tilespmem:$0x8AF0]  }
0xea: {  	v34 =	vld [tilespmem:$0x8900]  }
0xeb: {  	v35 =	vld [tilespmem:$0x8B00]  }
0xec: {  	v36 =	vld [tilespmem:$0x8910]  }
0xed: {  	v37 =	vld [tilespmem:$0x8B10]  }
0xee: {  	v38 =	vld [tilespmem:$0x8920]  }
0xef: {  	v5 =	vld [tilespmem:$0x8930];
	v2 =	vadd.f32 v3, v2  }
0xf0: {  	v7 =	vld [tilespmem:$0x8B30];
	v4 =	vadd.f32 v42, v41;
	v6 =	vadd.f32 v44, v43  }
0xf1: {  	v50 =	vld [tilespmem:$0x8B50];
	v8 =	vadd.f32 v9, v45;
	v2 =	vadd.f32 v2, v1  }
0xf2: {  	v53 =	vld [tilespmem:$0x8960];
	v46 =	vadd.f32 v11, v10;
	v4 =	vadd.f32 v4, v1  }
0xf3: {  	v55 =	vld [tilespmem:$0x8B60];
	v48 =	vadd.f32 v13, v12;
	[tilespmem:$0x8C00] =	vst v2;
	v2 =	vadd.f32 v6, v1  }
0xf4: {  	v58 =	vld [tilespmem:$0x8970];
	v49 =	vadd.f32 v15, v14;
	v47 =	vadd.f32 v8, v1;
	[tilespmem:$0x8C10] =	vst v4  }
0xf5: {  	v60 =	vld [tilespmem:$0x8B70];
	v52 =	vadd.f32 v17, v16;
	[tilespmem:$0x8C20] =	vst v2;
	v2 =	vadd.f32 v46, v1  }
0xf6: {  	v63 =	vld [tilespmem:$0x8980];
	v54 =	vadd.f32 v19, v18;
	v51 =	vadd.f32 v48, v1;
	[tilespmem:$0x8C30] =	vst v47  }
0xf7: {  	v40 =	vld [tilespmem:$0x8BA0];
	v57 =	vadd.f32 v21, v20;
	[tilespmem:$0x8C40] =	vst v2;
	v2 =	vadd.f32 v49, v1  }
0xf8: {  	v3 =	vld [tilespmem:$0x8B20];
	v59 =	vadd.f32 v23, v22;
	v56 =	vadd.f32 v52, v1;
	[tilespmem:$0x8C50] =	vst v51  }
0xf9: {  	v9 =	vld [tilespmem:$0x8940];
	v62 =	vadd.f32 v25, v24;
	[tilespmem:$0x8C60] =	vst v2;
	v2 =	vadd.f32 v54, v1  }
0xfa: {  	v10 =	vld [tilespmem:$0x8B40];
	v24 =	vadd.f32 v27, v26;
	v61 =	vadd.f32 v57, v1;
	[tilespmem:$0x8C70] =	vst v56  }
0xfb: {  	v11 =	vld [tilespmem:$0x8950];
	v27 =	vadd.f32 v29, v28;
	[tilespmem:$0x8C80] =	vst v2;
	v2 =	vadd.f32 v59, v1  }
0xfc: {  	v25 =	vld [tilespmem:$0x8B80];
	v29 =	vadd.f32 v31, v30;
	v26 =	vadd.f32 v62, v1;
	[tilespmem:$0x8C90] =	vst v61  }
0xfd: {  	v28 =	vld [tilespmem:$0x8990];
	v32 =	vadd.f32 v33, v32;
	[tilespmem:$0x8CA0] =	vst v2;
	v2 =	vadd.f32 v24, v1  }
0xfe: {  	v30 =	vld [tilespmem:$0x8B90];
	v39 =	vadd.f32 v35, v34;
	v31 =	vadd.f32 v27, v1;
	[tilespmem:$0x8CB0] =	vst v26  }
0xff: {  	v33 =	vld [tilespmem:$0x89A0];
	v42 =	vadd.f32 v37, v36;
	[tilespmem:$0x8CC0] =	vst v2;
	v2 =	vadd.f32 v29, v1  }
0x100: {  	v43 =	vld [tilespmem:$0x89B0];
	v5 =	vadd.f32 v7, v5;
	v41 =	vadd.f32 v32, v1;
	[tilespmem:$0x8CD0] =	vst v31  }
0x101: {  	v44 =	vld [tilespmem:$0x8BB0];
	v3 =	vadd.f32 v3, v38;
	[tilespmem:$0x8CE0] =	vst v2;
	v2 =	vadd.f32 v39, v1  }
0x102: {  	v45 =	vadd.f32 v42, v1;
	[tilespmem:$0x8CF0] =	vst v41;
	v51 =	vld [tilespmem:$0x8BD0];
	v49 =	vadd.f32 v50, v11  }
0x103: {  	v50 =	vld [tilespmem:$0x89D0];
	[tilespmem:$0x8D00] =	vst v2;
	v2 =	vadd.f32 v3, v1;
	v3 =	vadd.f32 v10, v9  }
0x104: {  	v48 =	vadd.f32 v5, v1;
	v47 =	vld [tilespmem:$0x8BC0];
	[tilespmem:$0x8D10] =	vst v45;
	v57 =	vadd.f32 v30, v28  }
0x105: {  	v46 =	vld [tilespmem:$0x89C0];
	[tilespmem:$0x8D20] =	vst v2;
	v2 =	vadd.f32 v3, v1;
	v3 =	vadd.f32 v55, v53  }
0x106: {  	[tilespmem:$0x8D30] =	vst v48;
	v5 =	vadd.f32 v57, v1;
	v52 =	vadd.f32 v49, v1;
	v54 =	vld [tilespmem:$0x89E0]  }
0x107: {  	v59 =	vld [tilespmem:$0x8BF0];
	[tilespmem:$0x8D40] =	vst v2;
	v2 =	vadd.f32 v3, v1;
	v3 =	vadd.f32 v25, v63  }
0x108: {  	[tilespmem:$0x8D90] =	vst v5;
	v61 =	vadd.f32 v51, v50;
	v53 =	vadd.f32 v60, v58;
	v55 =	vld [tilespmem:$0x8BE0]  }
0x109: {  	v58 =	vld [tilespmem:$0x89F0];
	[tilespmem:$0x8D60] =	vst v2;
	v2 =	vadd.f32 v3, v1;
	v3 =	vadd.f32 v40, v33  }
0x10a: {  	[tilespmem:$0x8D50] =	vst v52;
	v62 =	vadd.f32 v61, v1  }
0x10b: {  	[tilespmem:$0x8D80] =	vst v2;
	v2 =	vadd.f32 v47, v46;
	v3 =	vadd.f32 v3, v1  }
0x10c: {  	[tilespmem:$0x8DD0] =	vst v62;
	v60 =	vadd.f32 v44, v43;
	v56 =	vadd.f32 v53, v1  }
0x10d: {  	[tilespmem:$0x8DA0] =	vst v3;
	v2 =	vadd.f32 v2, v1;
	v3 =	vadd.f32 v55, v54  }
0x10e: {  	v4 =	vadd.f32 v60, v1;
	[tilespmem:$0x8D70] =	vst v56;
	v63 =	vadd.f32 v59, v58  }
0x10f: {  	[tilespmem:$0x8DC0] =	vst v2;
	v2 =	vadd.f32 v3, v1  }
0x110: {  	s25 =	sadd.s32 $0x1, s25;
	[tilespmem:$0x8DB0] =	vst v4;
	v1 =	vadd.f32 v63, v1  }
0x111: {  	p1 =	sne.s32 s25, s18;
	[tilespmem:$0x8DE0] =	vst v2  }
.Ltmp1:
0x112: {  	[tilespmem:$0x8DF0] =	vst v1;
	(pc) =	sbr.rel @p1 .LBB2_1-.Ltmp1, $4  }
0x113: {  	[hbm4b:s17+s4] =	stream.linear.scatter [tilespmem:s24], [sflag:$0x2], $0x200, $0x38;
	[tilespmem:$0x8E48] =	vst v63  }
0x114: {  	_ =	swait.ge [sflag:s19], $0x200  }
0x115: {  	[sflag:s19] =	ssyncset.done $0x0  }
0x116: {  	[sflag:s19] =	ssyncadd.s32 $0xFFFFFE00  }
0x117: {  	_ =	sfence.sel $0x180000  }
0x118: {  	[bflag:$0x0] =	sbarrier.arrive $0xFFFF  }
0x119: {  	_ =	strace $0x90000047  }
0x11a: {  	[bflag:$0x2] =	sbarrier.arrive $0xFFFF  }
0x11b: {  	s0 =	rddreg [dreg:$0x7]  }
0x11c: {  	s0 =	sadd.s32 @!p0 $0x100000, s0  }
0x11d: {  	[sflag:s0] =	ssyncadd.tile.s32 @!p0 $0x1;
	_ =	shalt  }
.Lfunc_end2:
_tile_overlayer_lowered:
.L_overlay_start_2:
0x11e: {  	(tag) =	ssettag $0x2  }
0x11f: {  	s0 =	rddreg [dreg:$0x0];
	s2 =	stileid.u32  }
0x120: {  	s1 =	rddreg [dreg:$0x1];
	p0 =	sne.s32 s2, $0x0  }
0x121: {  	s3 =	rddreg [dreg:$0x2];
	[bflag:$0x3] =	sbarrier.arrive $0xFFFF;
	s2 =	simm.s32 @!p0 $0x1C02  }
0x122: {  	[timem:s3], [sflag:s2] =	dma.local @!p0 [hbm:s0], s1  }
0x123: {  	s0 =	simm.s32 @!p0 $0x2  }
0x124: {  	_ =	swait.ge @!p0 [sflag:s0], s1  }
0x125: {  	s1 =	ssub.s32 @!p0 $0x0, s1;
	[sflag:s0] =	ssyncset.done @!p0 $0x0  }
0x126: {  	[sflag:s0] =	ssyncadd.s32 @!p0 s1  }
0x127: {  	[bflag:$0x3] =	sbarrier.arrive $0xFFFF  }
0x128: {  	_ =	shalt  }

</sc_bundles>
